<compile_context>
chip_gen: v7x
topology: tpu7x:2x2x1
jax: 0.10.2.dev20260603
libtpu: 0.0.44.dev20260713+nightly
codegen_flags: <defaults>
</compile_context>

<pallas_src>
import functools

import jax
import jax.numpy as jnp
from jax import lax
from jax.experimental import pallas as pl
from jax.experimental.pallas import tpu as pltpu
from jax.experimental.pallas import tpu_sc as plsc

_N = 16
_H = 4
_OMEGA0 = 30.0
_CIN = 64
_COUT = 64
_A = 16.0
_BT = 512
_NPB = 144
_NC = 2
_NS = 16
_NW = _NC * _NS
_SCC = 1024



_INV_PI = 0.31830988618367906
_PI_HI = 3.140625
_PI_MID = 9.676536e-4
_S1 = -0.1666666
_S2 = 0.008333097
_S3 = -0.00019812485
_S4 = 2.6129003e-06


def _fast_sin(z):
    kf = jnp.round(z * _INV_PI)
    k = kf.astype(jnp.int32)
    r = z - kf * _PI_HI
    r = r - kf * _PI_MID
    s = r * r
    p = _S4
    for c in (_S3, _S2, _S1, 1.0):
        p = p * s + c
    p = p * r
    return jnp.where((k & 1) == 1, -p, p)


def _rank_kernel(c_ref, tril_ref, tid_ref, rank_ref, hist_ref, base_ref):
    @pl.when(pl.program_id(0) == 0)
    def _():
        base_ref[...] = jnp.zeros_like(base_ref)

    cb = c_ref[...]
    affine = cb * _A
    xi = jnp.floor(affine[:, 0:1]).astype(jnp.int32) % _H
    yi = jnp.floor(affine[:, 1:2]).astype(jnp.int32) % _H
    tid = _H * xi + yi

    ids = lax.broadcasted_iota(jnp.int32, (1, _N), 1)
    onehot = jnp.where(tid == ids, 1.0, 0.0)
    cum = jnp.dot(tril_ref[...], onehot,
                  preferred_element_type=jnp.float32)
    cumg = cum + base_ref[...]
    rank = jnp.sum(jnp.where(tid == ids, cumg, 0.0),
                   axis=1, keepdims=True)

    tid_ref[...] = tid
    rank_ref[...] = rank.astype(jnp.int32)
    new_base = cumg[_BT - 1:_BT, :] + onehot[_BT - 1:_BT, :]
    base_ref[...] = new_base
    hist_ref[...] = new_base



def _pos_kernel(hist_ref, tid_ref, rank_ref, pos_ref, eblk_ref):
    cnt = hist_ref[...]
    pblk = jnp.floor((cnt + (_BT - 1.0)) / _BT)
    tj = lax.broadcasted_iota(jnp.int32, (_N, _N), 0)
    tt = lax.broadcasted_iota(jnp.int32, (_N, _N), 1)
    lt_incl = jnp.where(tj <= tt, 1.0, 0.0)
    cb = jnp.dot(pblk, lt_incl, preferred_element_type=jnp.float32)
    padoff = _BT * (cb - pblk)

    tid = tid_ref[...]
    ids = lax.broadcasted_iota(jnp.int32, (1, _N), 1)
    masked = jnp.where(tid == ids, padoff, 0.0)
    base = jnp.sum(masked, axis=1, keepdims=True)
    pos_ref[...] = base.astype(jnp.int32) + rank_ref[...]

    r0 = lax.broadcasted_iota(jnp.int32, (2, 128), 0)
    c0 = lax.broadcasted_iota(jnp.int32, (2, 128), 1)
    pb = (128 * r0 + c0).astype(jnp.float32)
    e = jnp.zeros((2, 128), dtype=jnp.int32)
    for t in range(_N):
        e = e + jnp.where(pb >= cb[0, t], 1, 0)
    eblk_ref[...] = jnp.minimum(e, _N - 1)



def _sc_scatter_body(x_hbm, pos_hbm, xs_hbm, pos_v, xrow_v, sem):
    wid = lax.axis_index("s") * _NC + lax.axis_index("c")
    tpw = 65536 // _NW
    for sc in range(tpw // _SCC):
        base = wid * tpw + sc * _SCC
        prow = pl.multiple_of(base // 128, 8)
        pltpu.sync_copy(pos_hbm.at[pl.ds(prow, _SCC // 128)], pos_v)
        for h in range(2):
            pltpu.sync_copy(x_hbm.at[pl.ds(base + h * _BT, _BT)], xrow_v)
            copies = []
            for j in range(_BT // 128):
                copies.append(pltpu.async_copy(
                    xrow_v.at[pl.ds(j * 128, 128)],
                    xs_hbm.at[pos_v.at[h * 4 + j]], sem))
            for c in copies:
                c.wait()



def _expert_matmul_kernel(eblk_ref, xs_ref, wt_ref, ys_ref):
    acc = jnp.dot(xs_ref[:, :_CIN], wt_ref[0],
                  preferred_element_type=jnp.float32)
    ys_ref[:, :_COUT] = _fast_sin(_OMEGA0 * acc)



def _sc_gather_body(ys_hbm, pos_hbm, out_hbm, pos_v, row_v, sem):
    wid = lax.axis_index("s") * _NC + lax.axis_index("c")
    tpw = 65536 // _NW
    for sc in range(tpw // _SCC):
        base = wid * tpw + sc * _SCC
        prow = pl.multiple_of(base // 128, 8)
        pltpu.sync_copy(pos_hbm.at[pl.ds(prow, _SCC // 128)], pos_v)
        for h in range(2):
            copies = []
            for j in range(_BT // 128):
                copies.append(pltpu.async_copy(
                    ys_hbm.at[pos_v.at[h * 4 + j]],
                    row_v.at[pl.ds(j * 128, 128)], sem))
            for c in copies:
                c.wait()
            pltpu.sync_copy(row_v, out_hbm.at[pl.ds(base + h * _BT, _BT)])


@jax.jit
def kernel(in_feats, in_coords, W):
    B = in_feats.shape[0]
    nblk = B // _BT
    coords = in_coords.reshape(B, 2)
    wt = jnp.transpose(W, (0, 2, 1))

    tril = jnp.tril(jnp.ones((_BT, _BT), jnp.float32), k=-1)

    tid2, rank2, hist = pl.pallas_call(
        _rank_kernel,
        grid=(nblk,),
        in_specs=[
            pl.BlockSpec((_BT, 2), lambda i: (i, 0)),
            pl.BlockSpec((_BT, _BT), lambda i: (0, 0)),
        ],
        out_specs=[
            pl.BlockSpec((_BT, 1), lambda i: (i, 0)),
            pl.BlockSpec((_BT, 1), lambda i: (i, 0)),
            pl.BlockSpec((1, _N), lambda i: (0, 0)),
        ],
        out_shape=[
            jax.ShapeDtypeStruct((B, 1), jnp.int32),
            jax.ShapeDtypeStruct((B, 1), jnp.int32),
            jax.ShapeDtypeStruct((1, _N), jnp.float32),
        ],
        scratch_shapes=[pltpu.VMEM((1, _N), jnp.float32)],
    )(coords, tril)

    pos2, eblk2 = pl.pallas_call(
        _pos_kernel,
        grid=(nblk,),
        in_specs=[
            pl.BlockSpec((1, _N), lambda i: (0, 0)),
            pl.BlockSpec((_BT, 1), lambda i: (i, 0)),
            pl.BlockSpec((_BT, 1), lambda i: (i, 0)),
        ],
        out_specs=[
            pl.BlockSpec((_BT, 1), lambda i: (i, 0)),
            pl.BlockSpec((2, 128), lambda i: (0, 0)),
        ],
        out_shape=[
            jax.ShapeDtypeStruct((B, 1), jnp.int32),
            jax.ShapeDtypeStruct((2, 128), jnp.int32),
        ],
    )(hist, tid2, rank2)

    pos = pos2.reshape(B // 128, 128)
    eblk = eblk2.reshape(256)[:_NPB]

    xpad = jnp.pad(in_feats, ((0, 0), (0, 128 - _CIN)))
    mesh = plsc.VectorSubcoreMesh(core_axis_name="c", subcore_axis_name="s")
    xs = pl.kernel(
        _sc_scatter_body,
        mesh=mesh,
        out_type=jax.ShapeDtypeStruct((_NPB * _BT, 128), jnp.float32),
        scratch_types=[
            pltpu.VMEM((_SCC // 128, 128), jnp.int32),
            pltpu.VMEM((_BT, 128), jnp.float32),
            pltpu.SemaphoreType.DMA,
        ],
    )(xpad, pos)

    ys = pl.pallas_call(
        _expert_matmul_kernel,
        grid_spec=pltpu.PrefetchScalarGridSpec(
            num_scalar_prefetch=1,
            grid=(_NPB,),
            in_specs=[
                pl.BlockSpec((_BT, 128), lambda pb, eref: (pb, 0)),
                pl.BlockSpec((1, _CIN, _COUT), lambda pb, eref: (eref[pb], 0, 0)),
            ],
            out_specs=pl.BlockSpec((_BT, 128), lambda pb, eref: (pb, 0)),
        ),
        out_shape=jax.ShapeDtypeStruct((_NPB * _BT, 128), jnp.float32),
    )(eblk, xs, wt)

    out = pl.kernel(
        _sc_gather_body,
        mesh=mesh,
        out_type=jax.ShapeDtypeStruct((B, 128), jnp.float32),
        scratch_types=[
            pltpu.VMEM((_SCC // 128, 128), jnp.int32),
            pltpu.VMEM((_BT, 128), jnp.float32),
            pltpu.SemaphoreType.DMA,
        ],
    )(ys, pos)

    return out[:, :_COUT]

# --- scband reference (transcript-rebuilt; emitter-appended) ---
"""Pipeline reference for scband-sine-layer-lo-e-34754875359890 (READ-ONLY COPY).

The authoritative reference and input builder live on the scoring server;
editing this copy changes nothing except your own understanding.
"""

import jax, jax.numpy as jnp
import numpy as np

N = 16
H = 4  # int(sqrt(N))
LAYER_NUM = 1
OMEGA0 = 30.0
CIN = 64
COUT = 64
B = 65536  # coord_batch_size, hardcoded 256*256 in module


def setup_inputs(seed: int = 0) -> dict:
    key = jax.random.key(seed)
    k1, k2, k3 = jax.random.split(key, 3)
    in_feats = jax.random.normal(k1, (B, CIN), dtype=jnp.float32)
    in_coords = jax.random.uniform(k2, (1, B, 2), dtype=jnp.float32)
    # SIREN init for non-first layer: U(-sqrt(6/Cin)/omega0, sqrt(6/Cin)/omega0), N expert weights
    lim = float(np.sqrt(6.0 / CIN) / OMEGA0)
    W = jax.random.uniform(k3, (N, COUT, CIN), minval=-lim, maxval=lim, dtype=jnp.float32)
    return {"in_feats": in_feats, "in_coords": in_coords, "W": W}


def _tile_id(in_coords):
    # grid == 'fine_to_coarse': _A = 2**(5 - layer_num), _b = 0.0
    A = 2.0 ** (5 - LAYER_NUM)
    affine = in_coords * A + 0.0
    x = jnp.floor(affine[0, :, 0]).astype(jnp.int32) % H
    y = jnp.floor(affine[0, :, 1]).astype(jnp.int32) % H
    return H * x + y  # [B]


def reference(in_feats, in_coords, W):
    tile_id = _tile_id(in_coords)
    # positional-dependent linear: each token routed to one of N expert weights
    # (torch: masked_select -> per-expert matmul -> masked_scatter; bias unused in forward)
    out = jnp.zeros((B, COUT), dtype=in_feats.dtype)
    for t in range(N):
        mask = (tile_id == t)[:, None]
        out = out + jnp.where(mask, in_feats @ W[t].T, 0.0)
    # is_last=True -> return only sin activation
    return jnp.sin(OMEGA0 * out)

if __name__ == "__main__":
    import jax
    _d = setup_inputs()
    print(jax.jit(kernel)(*tuple(_d.values())))

</pallas_src>

<mosaic_0001>
#map = affine_map<(d0, d1) -> (0, 0)>
module attributes {stable_mosaic.version = 14 : i64} {
  func.func @_sc_gather_body(%arg0: i32, %arg1: i32, %arg2: memref<73728x128xf32, #tpu.memory_space<hbm>>, %arg3: memref<512x128xi32, #tpu.memory_space<hbm>>, %arg4: memref<65536x128xf32, #tpu.memory_space<hbm>>, %arg5: memref<8x128xi32, #tpu.memory_space<vmem>>, %arg6: memref<512x128xf32, #tpu.memory_space<vmem>>, %arg7: memref<!tpu.dma_semaphore, #tpu.memory_space<semaphore_mem>>) attributes {dimension_semantics = [#tpu.dimension_semantics<core_parallel>, #tpu.dimension_semantics<subcore_parallel>], iteration_bounds = array<i64: 2, 16>, scalar_prefetch = 0 : i64, scratch_operands = 3 : i64, tpu.core_type = #tpu.core_type<sc_vector_subcore>, window_params = [{transform_indices = #map}, {transform_indices = #map}, {transform_indices = #map}]} {
    %mul3A = arith.constant 2 : i32
    %mul3A_0 = arith.muli %arg1, %mul3A : i32
    %add3A = arith.addi %mul3A_0, %arg0 : i32
    %mul3A_1 = arith.constant 2048 : i32
    %mul3A_2 = arith.muli %add3A, %mul3A_1 : i32
    %add3A_3 = arith.constant 0 : i32
    %add3A_4 = arith.addi %mul3A_2, %add3A_3 : i32
    %jit3A = arith.constant 128 : i32
    %div3A = arith.divsi %add3A_4, %jit3A : i32
    %sign3A = arith.constant 0 : i32
    %sign3A_5 = arith.cmpi sgt, %add3A_4, %sign3A : i32
    %sign3A_6 = arith.extui %sign3A_5 : i1 to i32
    %sign3A_7 = arith.constant 0 : i32
    %sign3A_8 = arith.cmpi slt, %add3A_4, %sign3A_7 : i32
    %sign3A_9 = arith.extui %sign3A_8 : i1 to i32
    %sign3A_10 = arith.subi %sign3A_6, %sign3A_9 : i32
    %sign3A_11 = arith.constant 0 : i32
    %sign3A_12 = arith.cmpi sgt, %jit3A, %sign3A_11 : i32
    %sign3A_13 = arith.extui %sign3A_12 : i1 to i32
    %sign3A_14 = arith.constant 0 : i32
    %sign3A_15 = arith.cmpi slt, %jit3A, %sign3A_14 : i32
    %sign3A_16 = arith.extui %sign3A_15 : i1 to i32
    %sign3A_17 = arith.subi %sign3A_13, %sign3A_16 : i32
    %ne3A = arith.cmpi ne, %sign3A_10, %sign3A_17 : i32
    %rem3A = arith.remsi %add3A_4, %jit3A : i32
    %ne3A_18 = arith.constant 0 : i32
    %ne3A_19 = arith.cmpi ne, %rem3A, %ne3A_18 : i32
    %and3A = arith.andi %ne3A, %ne3A_19 : i1
    %sub3A = arith.constant 1 : i32
    %sub3A_20 = arith.subi %div3A, %sub3A : i32
    %select_n3A = arith.select %and3A, %sub3A_20, %div3A : i32
    %multiple_of3A = tpu.assume_multiple %select_n3A, 8 : i32
    "tpu.region"() ({
      %run_scoped3A = tpu.sem_alloc : memref<!tpu.dma_semaphore, #tpu.memory_space<semaphore_mem>>
      %dma_start3A_376 = arith.constant 0 : i32
      %dma_start3A_377 = tpu.memref_slice %arg3[%multiple_of3A, %dma_start3A_376] : memref<512x128xi32, #tpu.memory_space<hbm>> -> memref<8x128xi32, #tpu.memory_space<hbm>>
      %dma_start3A_378 = arith.constant 0 : i32
      %dma_start3A_379 = tpu.memref_slice %arg3[%multiple_of3A, %dma_start3A_378] : memref<512x128xi32, #tpu.memory_space<hbm>> -> memref<8x128xi32, #tpu.memory_space<hbm>>
      tpu.enqueue_dma source(%dma_start3A_379 : memref<8x128xi32, #tpu.memory_space<hbm>>) target(%arg5 : memref<8x128xi32, #tpu.memory_space<vmem>>) target_semaphore(%run_scoped3A : memref<!tpu.dma_semaphore, #tpu.memory_space<semaphore_mem>>)
      %dma_wait3A_380 = arith.constant 0 : i32
      %dma_wait3A_381 = tpu.memref_slice %arg3[%multiple_of3A, %dma_wait3A_380] : memref<512x128xi32, #tpu.memory_space<hbm>> -> memref<8x128xi32, #tpu.memory_space<hbm>>
      %dma_wait3A_382 = arith.constant 0 : i32
      %dma_wait3A_383 = tpu.memref_slice %arg3[%multiple_of3A, %dma_wait3A_382] : memref<512x128xi32, #tpu.memory_space<hbm>> -> memref<8x128xi32, #tpu.memory_space<hbm>>
      tpu.wait_dma2 semaphore(%run_scoped3A : memref<!tpu.dma_semaphore, #tpu.memory_space<semaphore_mem>>) src(%dma_wait3A_383 : memref<8x128xi32, #tpu.memory_space<hbm>>) dst(%arg5 : memref<8x128xi32, #tpu.memory_space<vmem>>)
      tpu.yield
    }) : () -> ()
    %dma_start3A = arith.constant 0 : i32
    %dma_start3A_21 = arith.constant 0 : i32
    %dma_start3A_22 = arith.constant 0 : i32
    %dma_start3A_23 = tpu.memref_slice %arg6[%dma_start3A_21, %dma_start3A_22] : memref<512x128xf32, #tpu.memory_space<vmem>> -> memref<128x128xf32, #tpu.memory_space<vmem>>
    %dma_start3A_24 = arith.constant 0 : i32
    %dma_start3A_25 = tpu.memref_slice %arg5[%dma_start3A, %dma_start3A_24] : memref<8x128xi32, #tpu.memory_space<vmem>> -> memref<1x128xi32, #tpu.memory_space<vmem>>
    %dma_start3A_26 = tpu.memref_squeeze %dma_start3A_25 : memref<1x128xi32, #tpu.memory_space<vmem>> -> memref<128xi32, #tpu.memory_space<vmem>>
    %dma_start3A_27 = arith.constant 0 : i32
    %dma_start3A_28 = arith.constant 0 : i32
    %dma_start3A_29 = tpu.memref_slice %arg2[%dma_start3A_27, %dma_start3A_28] : memref<73728x128xf32, #tpu.memory_space<hbm>> -> memref<73728x128xf32, #tpu.memory_space<hbm>>
    tpu.enqueue_indirect_dma source(%dma_start3A_29 : memref<73728x128xf32, #tpu.memory_space<hbm>>) target(%dma_start3A_23 : memref<128x128xf32, #tpu.memory_space<vmem>>) offsets(%dma_start3A_26 : memref<128xi32, #tpu.memory_space<vmem>>) semaphore(%arg7 : memref<!tpu.dma_semaphore, #tpu.memory_space<semaphore_mem>>)
    %dma_start3A_30 = arith.constant 1 : i32
    %dma_start3A_31 = arith.constant 128 : i32
    %dma_start3A_32 = arith.constant 0 : i32
    %dma_start3A_33 = tpu.memref_slice %arg6[%dma_start3A_31, %dma_start3A_32] : memref<512x128xf32, #tpu.memory_space<vmem>> -> memref<128x128xf32, #tpu.memory_space<vmem>>
    %dma_start3A_34 = arith.constant 0 : i32
    %dma_start3A_35 = tpu.memref_slice %arg5[%dma_start3A_30, %dma_start3A_34] : memref<8x128xi32, #tpu.memory_space<vmem>> -> memref<1x128xi32, #tpu.memory_space<vmem>>
    %dma_start3A_36 = tpu.memref_squeeze %dma_start3A_35 : memref<1x128xi32, #tpu.memory_space<vmem>> -> memref<128xi32, #tpu.memory_space<vmem>>
    %dma_start3A_37 = arith.constant 0 : i32
    %dma_start3A_38 = arith.constant 0 : i32
    %dma_start3A_39 = tpu.memref_slice %arg2[%dma_start3A_37, %dma_start3A_38] : memref<73728x128xf32, #tpu.memory_space<hbm>> -> memref<73728x128xf32, #tpu.memory_space<hbm>>
    tpu.enqueue_indirect_dma source(%dma_start3A_39 : memref<73728x128xf32, #tpu.memory_space<hbm>>) target(%dma_start3A_33 : memref<128x128xf32, #tpu.memory_space<vmem>>) offsets(%dma_start3A_36 : memref<128xi32, #tpu.memory_space<vmem>>) semaphore(%arg7 : memref<!tpu.dma_semaphore, #tpu.memory_space<semaphore_mem>>)
    %dma_start3A_40 = arith.constant 2 : i32
    %dma_start3A_41 = arith.constant 256 : i32
    %dma_start3A_42 = arith.constant 0 : i32
    %dma_start3A_43 = tpu.memref_slice %arg6[%dma_start3A_41, %dma_start3A_42] : memref<512x128xf32, #tpu.memory_space<vmem>> -> memref<128x128xf32, #tpu.memory_space<vmem>>
    %dma_start3A_44 = arith.constant 0 : i32
    %dma_start3A_45 = tpu.memref_slice %arg5[%dma_start3A_40, %dma_start3A_44] : memref<8x128xi32, #tpu.memory_space<vmem>> -> memref<1x128xi32, #tpu.memory_space<vmem>>
    %dma_start3A_46 = tpu.memref_squeeze %dma_start3A_45 : memref<1x128xi32, #tpu.memory_space<vmem>> -> memref<128xi32, #tpu.memory_space<vmem>>
    %dma_start3A_47 = arith.constant 0 : i32
    %dma_start3A_48 = arith.constant 0 : i32
    %dma_start3A_49 = tpu.memref_slice %arg2[%dma_start3A_47, %dma_start3A_48] : memref<73728x128xf32, #tpu.memory_space<hbm>> -> memref<73728x128xf32, #tpu.memory_space<hbm>>
    tpu.enqueue_indirect_dma source(%dma_start3A_49 : memref<73728x128xf32, #tpu.memory_space<hbm>>) target(%dma_start3A_43 : memref<128x128xf32, #tpu.memory_space<vmem>>) offsets(%dma_start3A_46 : memref<128xi32, #tpu.memory_space<vmem>>) semaphore(%arg7 : memref<!tpu.dma_semaphore, #tpu.memory_space<semaphore_mem>>)
    %dma_start3A_50 = arith.constant 3 : i32
    %dma_start3A_51 = arith.constant 384 : i32
    %dma_start3A_52 = arith.constant 0 : i32
    %dma_start3A_53 = tpu.memref_slice %arg6[%dma_start3A_51, %dma_start3A_52] : memref<512x128xf32, #tpu.memory_space<vmem>> -> memref<128x128xf32, #tpu.memory_space<vmem>>
    %dma_start3A_54 = arith.constant 0 : i32
    %dma_start3A_55 = tpu.memref_slice %arg5[%dma_start3A_50, %dma_start3A_54] : memref<8x128xi32, #tpu.memory_space<vmem>> -> memref<1x128xi32, #tpu.memory_space<vmem>>
    %dma_start3A_56 = tpu.memref_squeeze %dma_start3A_55 : memref<1x128xi32, #tpu.memory_space<vmem>> -> memref<128xi32, #tpu.memory_space<vmem>>
    %dma_start3A_57 = arith.constant 0 : i32
    %dma_start3A_58 = arith.constant 0 : i32
    %dma_start3A_59 = tpu.memref_slice %arg2[%dma_start3A_57, %dma_start3A_58] : memref<73728x128xf32, #tpu.memory_space<hbm>> -> memref<73728x128xf32, #tpu.memory_space<hbm>>
    tpu.enqueue_indirect_dma source(%dma_start3A_59 : memref<73728x128xf32, #tpu.memory_space<hbm>>) target(%dma_start3A_53 : memref<128x128xf32, #tpu.memory_space<vmem>>) offsets(%dma_start3A_56 : memref<128xi32, #tpu.memory_space<vmem>>) semaphore(%arg7 : memref<!tpu.dma_semaphore, #tpu.memory_space<semaphore_mem>>)
    %dma_wait3A = arith.constant 0 : i32
    %dma_wait3A_60 = arith.constant 0 : i32
    %dma_wait3A_61 = arith.constant 0 : i32
    %dma_wait3A_62 = tpu.memref_slice %arg6[%dma_wait3A_60, %dma_wait3A_61] : memref<512x128xf32, #tpu.memory_space<vmem>> -> memref<128x128xf32, #tpu.memory_space<vmem>>
    %dma_wait3A_63 = arith.constant 0 : i32
    %dma_wait3A_64 = tpu.memref_slice %arg5[%dma_wait3A, %dma_wait3A_63] : memref<8x128xi32, #tpu.memory_space<vmem>> -> memref<1x128xi32, #tpu.memory_space<vmem>>
    %dma_wait3A_65 = tpu.memref_squeeze %dma_wait3A_64 : memref<1x128xi32, #tpu.memory_space<vmem>> -> memref<128xi32, #tpu.memory_space<vmem>>
    %dma_wait3A_66 = arith.constant 0 : i32
    %dma_wait3A_67 = arith.constant 0 : i32
    %dma_wait3A_68 = tpu.memref_slice %arg2[%dma_wait3A_66, %dma_wait3A_67] : memref<73728x128xf32, #tpu.memory_space<hbm>> -> memref<73728x128xf32, #tpu.memory_space<hbm>>
    tpu.wait_indirect_dma semaphore(%arg7 : memref<!tpu.dma_semaphore, #tpu.memory_space<semaphore_mem>>) src(%dma_wait3A_68 : memref<73728x128xf32, #tpu.memory_space<hbm>>) dst(%dma_wait3A_62 : memref<128x128xf32, #tpu.memory_space<vmem>>)
    %dma_wait3A_69 = arith.constant 1 : i32
    %dma_wait3A_70 = arith.constant 128 : i32
    %dma_wait3A_71 = arith.constant 0 : i32
    %dma_wait3A_72 = tpu.memref_slice %arg6[%dma_wait3A_70, %dma_wait3A_71] : memref<512x128xf32, #tpu.memory_space<vmem>> -> memref<128x128xf32, #tpu.memory_space<vmem>>
    %dma_wait3A_73 = arith.constant 0 : i32
    %dma_wait3A_74 = tpu.memref_slice %arg5[%dma_wait3A_69, %dma_wait3A_73] : memref<8x128xi32, #tpu.memory_space<vmem>> -> memref<1x128xi32, #tpu.memory_space<vmem>>
    %dma_wait3A_75 = tpu.memref_squeeze %dma_wait3A_74 : memref<1x128xi32, #tpu.memory_space<vmem>> -> memref<128xi32, #tpu.memory_space<vmem>>
    %dma_wait3A_76 = arith.constant 0 : i32
    %dma_wait3A_77 = arith.constant 0 : i32
    %dma_wait3A_78 = tpu.memref_slice %arg2[%dma_wait3A_76, %dma_wait3A_77] : memref<73728x128xf32, #tpu.memory_space<hbm>> -> memref<73728x128xf32, #tpu.memory_space<hbm>>
    tpu.wait_indirect_dma semaphore(%arg7 : memref<!tpu.dma_semaphore, #tpu.memory_space<semaphore_mem>>) src(%dma_wait3A_78 : memref<73728x128xf32, #tpu.memory_space<hbm>>) dst(%dma_wait3A_72 : memref<128x128xf32, #tpu.memory_space<vmem>>)
    %dma_wait3A_79 = arith.constant 2 : i32
    %dma_wait3A_80 = arith.constant 256 : i32
    %dma_wait3A_81 = arith.constant 0 : i32
    %dma_wait3A_82 = tpu.memref_slice %arg6[%dma_wait3A_80, %dma_wait3A_81] : memref<512x128xf32, #tpu.memory_space<vmem>> -> memref<128x128xf32, #tpu.memory_space<vmem>>
    %dma_wait3A_83 = arith.constant 0 : i32
    %dma_wait3A_84 = tpu.memref_slice %arg5[%dma_wait3A_79, %dma_wait3A_83] : memref<8x128xi32, #tpu.memory_space<vmem>> -> memref<1x128xi32, #tpu.memory_space<vmem>>
    %dma_wait3A_85 = tpu.memref_squeeze %dma_wait3A_84 : memref<1x128xi32, #tpu.memory_space<vmem>> -> memref<128xi32, #tpu.memory_space<vmem>>
    %dma_wait3A_86 = arith.constant 0 : i32
    %dma_wait3A_87 = arith.constant 0 : i32
    %dma_wait3A_88 = tpu.memref_slice %arg2[%dma_wait3A_86, %dma_wait3A_87] : memref<73728x128xf32, #tpu.memory_space<hbm>> -> memref<73728x128xf32, #tpu.memory_space<hbm>>
    tpu.wait_indirect_dma semaphore(%arg7 : memref<!tpu.dma_semaphore, #tpu.memory_space<semaphore_mem>>) src(%dma_wait3A_88 : memref<73728x128xf32, #tpu.memory_space<hbm>>) dst(%dma_wait3A_82 : memref<128x128xf32, #tpu.memory_space<vmem>>)
    %dma_wait3A_89 = arith.constant 3 : i32
    %dma_wait3A_90 = arith.constant 384 : i32
    %dma_wait3A_91 = arith.constant 0 : i32
    %dma_wait3A_92 = tpu.memref_slice %arg6[%dma_wait3A_90, %dma_wait3A_91] : memref<512x128xf32, #tpu.memory_space<vmem>> -> memref<128x128xf32, #tpu.memory_space<vmem>>
    %dma_wait3A_93 = arith.constant 0 : i32
    %dma_wait3A_94 = tpu.memref_slice %arg5[%dma_wait3A_89, %dma_wait3A_93] : memref<8x128xi32, #tpu.memory_space<vmem>> -> memref<1x128xi32, #tpu.memory_space<vmem>>
    %dma_wait3A_95 = tpu.memref_squeeze %dma_wait3A_94 : memref<1x128xi32, #tpu.memory_space<vmem>> -> memref<128xi32, #tpu.memory_space<vmem>>
    %dma_wait3A_96 = arith.constant 0 : i32
    %dma_wait3A_97 = arith.constant 0 : i32
    %dma_wait3A_98 = tpu.memref_slice %arg2[%dma_wait3A_96, %dma_wait3A_97] : memref<73728x128xf32, #tpu.memory_space<hbm>> -> memref<73728x128xf32, #tpu.memory_space<hbm>>
    tpu.wait_indirect_dma semaphore(%arg7 : memref<!tpu.dma_semaphore, #tpu.memory_space<semaphore_mem>>) src(%dma_wait3A_98 : memref<73728x128xf32, #tpu.memory_space<hbm>>) dst(%dma_wait3A_92 : memref<128x128xf32, #tpu.memory_space<vmem>>)
    %add3A_99 = arith.constant 0 : i32
    %add3A_100 = arith.addi %add3A_4, %add3A_99 : i32
    "tpu.region"() ({
      %run_scoped3A = tpu.sem_alloc : memref<!tpu.dma_semaphore, #tpu.memory_space<semaphore_mem>>
      %dma_start3A_376 = arith.constant 0 : i32
      %dma_start3A_377 = tpu.memref_slice %arg4[%add3A_100, %dma_start3A_376] : memref<65536x128xf32, #tpu.memory_space<hbm>> -> memref<512x128xf32, #tpu.memory_space<hbm>>
      %dma_start3A_378 = arith.constant 0 : i32
      %dma_start3A_379 = tpu.memref_slice %arg4[%add3A_100, %dma_start3A_378] : memref<65536x128xf32, #tpu.memory_space<hbm>> -> memref<512x128xf32, #tpu.memory_space<hbm>>
      tpu.enqueue_dma source(%arg6 : memref<512x128xf32, #tpu.memory_space<vmem>>) target(%dma_start3A_379 : memref<512x128xf32, #tpu.memory_space<hbm>>) target_semaphore(%run_scoped3A : memref<!tpu.dma_semaphore, #tpu.memory_space<semaphore_mem>>)
      %dma_wait3A_380 = arith.constant 0 : i32
      %dma_wait3A_381 = tpu.memref_slice %arg4[%add3A_100, %dma_wait3A_380] : memref<65536x128xf32, #tpu.memory_space<hbm>> -> memref<512x128xf32, #tpu.memory_space<hbm>>
      %dma_wait3A_382 = arith.constant 0 : i32
      %dma_wait3A_383 = tpu.memref_slice %arg4[%add3A_100, %dma_wait3A_382] : memref<65536x128xf32, #tpu.memory_space<hbm>> -> memref<512x128xf32, #tpu.memory_space<hbm>>
      tpu.wait_dma2 semaphore(%run_scoped3A : memref<!tpu.dma_semaphore, #tpu.memory_space<semaphore_mem>>) src(%arg6 : memref<512x128xf32, #tpu.memory_space<vmem>>) dst(%dma_wait3A_383 : memref<512x128xf32, #tpu.memory_space<hbm>>)
      tpu.yield
    }) : () -> ()
    %dma_start3A_101 = arith.constant 4 : i32
    %dma_start3A_102 = arith.constant 0 : i32
    %dma_start3A_103 = arith.constant 0 : i32
    %dma_start3A_104 = tpu.memref_slice %arg6[%dma_start3A_102, %dma_start3A_103] : memref<512x128xf32, #tpu.memory_space<vmem>> -> memref<128x128xf32, #tpu.memory_space<vmem>>
    %dma_start3A_105 = arith.constant 0 : i32
    %dma_start3A_106 = tpu.memref_slice %arg5[%dma_start3A_101, %dma_start3A_105] : memref<8x128xi32, #tpu.memory_space<vmem>> -> memref<1x128xi32, #tpu.memory_space<vmem>>
    %dma_start3A_107 = tpu.memref_squeeze %dma_start3A_106 : memref<1x128xi32, #tpu.memory_space<vmem>> -> memref<128xi32, #tpu.memory_space<vmem>>
    %dma_start3A_108 = arith.constant 0 : i32
    %dma_start3A_109 = arith.constant 0 : i32
    %dma_start3A_110 = tpu.memref_slice %arg2[%dma_start3A_108, %dma_start3A_109] : memref<73728x128xf32, #tpu.memory_space<hbm>> -> memref<73728x128xf32, #tpu.memory_space<hbm>>
    tpu.enqueue_indirect_dma source(%dma_start3A_110 : memref<73728x128xf32, #tpu.memory_space<hbm>>) target(%dma_start3A_104 : memref<128x128xf32, #tpu.memory_space<vmem>>) offsets(%dma_start3A_107 : memref<128xi32, #tpu.memory_space<vmem>>) semaphore(%arg7 : memref<!tpu.dma_semaphore, #tpu.memory_space<semaphore_mem>>)
    %dma_start3A_111 = arith.constant 5 : i32
    %dma_start3A_112 = arith.constant 128 : i32
    %dma_start3A_113 = arith.constant 0 : i32
    %dma_start3A_114 = tpu.memref_slice %arg6[%dma_start3A_112, %dma_start3A_113] : memref<512x128xf32, #tpu.memory_space<vmem>> -> memref<128x128xf32, #tpu.memory_space<vmem>>
    %dma_start3A_115 = arith.constant 0 : i32
    %dma_start3A_116 = tpu.memref_slice %arg5[%dma_start3A_111, %dma_start3A_115] : memref<8x128xi32, #tpu.memory_space<vmem>> -> memref<1x128xi32, #tpu.memory_space<vmem>>
    %dma_start3A_117 = tpu.memref_squeeze %dma_start3A_116 : memref<1x128xi32, #tpu.memory_space<vmem>> -> memref<128xi32, #tpu.memory_space<vmem>>
    %dma_start3A_118 = arith.constant 0 : i32
    %dma_start3A_119 = arith.constant 0 : i32
    %dma_start3A_120 = tpu.memref_slice %arg2[%dma_start3A_118, %dma_start3A_119] : memref<73728x128xf32, #tpu.memory_space<hbm>> -> memref<73728x128xf32, #tpu.memory_space<hbm>>
    tpu.enqueue_indirect_dma source(%dma_start3A_120 : memref<73728x128xf32, #tpu.memory_space<hbm>>) target(%dma_start3A_114 : memref<128x128xf32, #tpu.memory_space<vmem>>) offsets(%dma_start3A_117 : memref<128xi32, #tpu.memory_space<vmem>>) semaphore(%arg7 : memref<!tpu.dma_semaphore, #tpu.memory_space<semaphore_mem>>)
    %dma_start3A_121 = arith.constant 6 : i32
    %dma_start3A_122 = arith.constant 256 : i32
    %dma_start3A_123 = arith.constant 0 : i32
    %dma_start3A_124 = tpu.memref_slice %arg6[%dma_start3A_122, %dma_start3A_123] : memref<512x128xf32, #tpu.memory_space<vmem>> -> memref<128x128xf32, #tpu.memory_space<vmem>>
    %dma_start3A_125 = arith.constant 0 : i32
    %dma_start3A_126 = tpu.memref_slice %arg5[%dma_start3A_121, %dma_start3A_125] : memref<8x128xi32, #tpu.memory_space<vmem>> -> memref<1x128xi32, #tpu.memory_space<vmem>>
    %dma_start3A_127 = tpu.memref_squeeze %dma_start3A_126 : memref<1x128xi32, #tpu.memory_space<vmem>> -> memref<128xi32, #tpu.memory_space<vmem>>
    %dma_start3A_128 = arith.constant 0 : i32
    %dma_start3A_129 = arith.constant 0 : i32
    %dma_start3A_130 = tpu.memref_slice %arg2[%dma_start3A_128, %dma_start3A_129] : memref<73728x128xf32, #tpu.memory_space<hbm>> -> memref<73728x128xf32, #tpu.memory_space<hbm>>
    tpu.enqueue_indirect_dma source(%dma_start3A_130 : memref<73728x128xf32, #tpu.memory_space<hbm>>) target(%dma_start3A_124 : memref<128x128xf32, #tpu.memory_space<vmem>>) offsets(%dma_start3A_127 : memref<128xi32, #tpu.memory_space<vmem>>) semaphore(%arg7 : memref<!tpu.dma_semaphore, #tpu.memory_space<semaphore_mem>>)
    %dma_start3A_131 = arith.constant 7 : i32
    %dma_start3A_132 = arith.constant 384 : i32
    %dma_start3A_133 = arith.constant 0 : i32
    %dma_start3A_134 = tpu.memref_slice %arg6[%dma_start3A_132, %dma_start3A_133] : memref<512x128xf32, #tpu.memory_space<vmem>> -> memref<128x128xf32, #tpu.memory_space<vmem>>
    %dma_start3A_135 = arith.constant 0 : i32
    %dma_start3A_136 = tpu.memref_slice %arg5[%dma_start3A_131, %dma_start3A_135] : memref<8x128xi32, #tpu.memory_space<vmem>> -> memref<1x128xi32, #tpu.memory_space<vmem>>
    %dma_start3A_137 = tpu.memref_squeeze %dma_start3A_136 : memref<1x128xi32, #tpu.memory_space<vmem>> -> memref<128xi32, #tpu.memory_space<vmem>>
    %dma_start3A_138 = arith.constant 0 : i32
    %dma_start3A_139 = arith.constant 0 : i32
    %dma_start3A_140 = tpu.memref_slice %arg2[%dma_start3A_138, %dma_start3A_139] : memref<73728x128xf32, #tpu.memory_space<hbm>> -> memref<73728x128xf32, #tpu.memory_space<hbm>>
    tpu.enqueue_indirect_dma source(%dma_start3A_140 : memref<73728x128xf32, #tpu.memory_space<hbm>>) target(%dma_start3A_134 : memref<128x128xf32, #tpu.memory_space<vmem>>) offsets(%dma_start3A_137 : memref<128xi32, #tpu.memory_space<vmem>>) semaphore(%arg7 : memref<!tpu.dma_semaphore, #tpu.memory_space<semaphore_mem>>)
    %dma_wait3A_141 = arith.constant 4 : i32
    %dma_wait3A_142 = arith.constant 0 : i32
    %dma_wait3A_143 = arith.constant 0 : i32
    %dma_wait3A_144 = tpu.memref_slice %arg6[%dma_wait3A_142, %dma_wait3A_143] : memref<512x128xf32, #tpu.memory_space<vmem>> -> memref<128x128xf32, #tpu.memory_space<vmem>>
    %dma_wait3A_145 = arith.constant 0 : i32
    %dma_wait3A_146 = tpu.memref_slice %arg5[%dma_wait3A_141, %dma_wait3A_145] : memref<8x128xi32, #tpu.memory_space<vmem>> -> memref<1x128xi32, #tpu.memory_space<vmem>>
    %dma_wait3A_147 = tpu.memref_squeeze %dma_wait3A_146 : memref<1x128xi32, #tpu.memory_space<vmem>> -> memref<128xi32, #tpu.memory_space<vmem>>
    %dma_wait3A_148 = arith.constant 0 : i32
    %dma_wait3A_149 = arith.constant 0 : i32
    %dma_wait3A_150 = tpu.memref_slice %arg2[%dma_wait3A_148, %dma_wait3A_149] : memref<73728x128xf32, #tpu.memory_space<hbm>> -> memref<73728x128xf32, #tpu.memory_space<hbm>>
    tpu.wait_indirect_dma semaphore(%arg7 : memref<!tpu.dma_semaphore, #tpu.memory_space<semaphore_mem>>) src(%dma_wait3A_150 : memref<73728x128xf32, #tpu.memory_space<hbm>>) dst(%dma_wait3A_144 : memref<128x128xf32, #tpu.memory_space<vmem>>)
    %dma_wait3A_151 = arith.constant 5 : i32
    %dma_wait3A_152 = arith.constant 128 : i32
    %dma_wait3A_153 = arith.constant 0 : i32
    %dma_wait3A_154 = tpu.memref_slice %arg6[%dma_wait3A_152, %dma_wait3A_153] : memref<512x128xf32, #tpu.memory_space<vmem>> -> memref<128x128xf32, #tpu.memory_space<vmem>>
    %dma_wait3A_155 = arith.constant 0 : i32
    %dma_wait3A_156 = tpu.memref_slice %arg5[%dma_wait3A_151, %dma_wait3A_155] : memref<8x128xi32, #tpu.memory_space<vmem>> -> memref<1x128xi32, #tpu.memory_space<vmem>>
    %dma_wait3A_157 = tpu.memref_squeeze %dma_wait3A_156 : memref<1x128xi32, #tpu.memory_space<vmem>> -> memref<128xi32, #tpu.memory_space<vmem>>
    %dma_wait3A_158 = arith.constant 0 : i32
    %dma_wait3A_159 = arith.constant 0 : i32
    %dma_wait3A_160 = tpu.memref_slice %arg2[%dma_wait3A_158, %dma_wait3A_159] : memref<73728x128xf32, #tpu.memory_space<hbm>> -> memref<73728x128xf32, #tpu.memory_space<hbm>>
    tpu.wait_indirect_dma semaphore(%arg7 : memref<!tpu.dma_semaphore, #tpu.memory_space<semaphore_mem>>) src(%dma_wait3A_160 : memref<73728x128xf32, #tpu.memory_space<hbm>>) dst(%dma_wait3A_154 : memref<128x128xf32, #tpu.memory_space<vmem>>)
    %dma_wait3A_161 = arith.constant 6 : i32
    %dma_wait3A_162 = arith.constant 256 : i32
    %dma_wait3A_163 = arith.constant 0 : i32
    %dma_wait3A_164 = tpu.memref_slice %arg6[%dma_wait3A_162, %dma_wait3A_163] : memref<512x128xf32, #tpu.memory_space<vmem>> -> memref<128x128xf32, #tpu.memory_space<vmem>>
    %dma_wait3A_165 = arith.constant 0 : i32
    %dma_wait3A_166 = tpu.memref_slice %arg5[%dma_wait3A_161, %dma_wait3A_165] : memref<8x128xi32, #tpu.memory_space<vmem>> -> memref<1x128xi32, #tpu.memory_space<vmem>>
    %dma_wait3A_167 = tpu.memref_squeeze %dma_wait3A_166 : memref<1x128xi32, #tpu.memory_space<vmem>> -> memref<128xi32, #tpu.memory_space<vmem>>
    %dma_wait3A_168 = arith.constant 0 : i32
    %dma_wait3A_169 = arith.constant 0 : i32
    %dma_wait3A_170 = tpu.memref_slice %arg2[%dma_wait3A_168, %dma_wait3A_169] : memref<73728x128xf32, #tpu.memory_space<hbm>> -> memref<73728x128xf32, #tpu.memory_space<hbm>>
    tpu.wait_indirect_dma semaphore(%arg7 : memref<!tpu.dma_semaphore, #tpu.memory_space<semaphore_mem>>) src(%dma_wait3A_170 : memref<73728x128xf32, #tpu.memory_space<hbm>>) dst(%dma_wait3A_164 : memref<128x128xf32, #tpu.memory_space<vmem>>)
    %dma_wait3A_171 = arith.constant 7 : i32
    %dma_wait3A_172 = arith.constant 384 : i32
    %dma_wait3A_173 = arith.constant 0 : i32
    %dma_wait3A_174 = tpu.memref_slice %arg6[%dma_wait3A_172, %dma_wait3A_173] : memref<512x128xf32, #tpu.memory_space<vmem>> -> memref<128x128xf32, #tpu.memory_space<vmem>>
    %dma_wait3A_175 = arith.constant 0 : i32
    %dma_wait3A_176 = tpu.memref_slice %arg5[%dma_wait3A_171, %dma_wait3A_175] : memref<8x128xi32, #tpu.memory_space<vmem>> -> memref<1x128xi32, #tpu.memory_space<vmem>>
    %dma_wait3A_177 = tpu.memref_squeeze %dma_wait3A_176 : memref<1x128xi32, #tpu.memory_space<vmem>> -> memref<128xi32, #tpu.memory_space<vmem>>
    %dma_wait3A_178 = arith.constant 0 : i32
    %dma_wait3A_179 = arith.constant 0 : i32
    %dma_wait3A_180 = tpu.memref_slice %arg2[%dma_wait3A_178, %dma_wait3A_179] : memref<73728x128xf32, #tpu.memory_space<hbm>> -> memref<73728x128xf32, #tpu.memory_space<hbm>>
    tpu.wait_indirect_dma semaphore(%arg7 : memref<!tpu.dma_semaphore, #tpu.memory_space<semaphore_mem>>) src(%dma_wait3A_180 : memref<73728x128xf32, #tpu.memory_space<hbm>>) dst(%dma_wait3A_174 : memref<128x128xf32, #tpu.memory_space<vmem>>)
    %add3A_181 = arith.constant 512 : i32
    %add3A_182 = arith.addi %add3A_4, %add3A_181 : i32
    "tpu.region"() ({
      %run_scoped3A = tpu.sem_alloc : memref<!tpu.dma_semaphore, #tpu.memory_space<semaphore_mem>>
      %dma_start3A_376 = arith.constant 0 : i32
      %dma_start3A_377 = tpu.memref_slice %arg4[%add3A_182, %dma_start3A_376] : memref<65536x128xf32, #tpu.memory_space<hbm>> -> memref<512x128xf32, #tpu.memory_space<hbm>>
      %dma_start3A_378 = arith.constant 0 : i32
      %dma_start3A_379 = tpu.memref_slice %arg4[%add3A_182, %dma_start3A_378] : memref<65536x128xf32, #tpu.memory_space<hbm>> -> memref<512x128xf32, #tpu.memory_space<hbm>>
      tpu.enqueue_dma source(%arg6 : memref<512x128xf32, #tpu.memory_space<vmem>>) target(%dma_start3A_379 : memref<512x128xf32, #tpu.memory_space<hbm>>) target_semaphore(%run_scoped3A : memref<!tpu.dma_semaphore, #tpu.memory_space<semaphore_mem>>)
      %dma_wait3A_380 = arith.constant 0 : i32
      %dma_wait3A_381 = tpu.memref_slice %arg4[%add3A_182, %dma_wait3A_380] : memref<65536x128xf32, #tpu.memory_space<hbm>> -> memref<512x128xf32, #tpu.memory_space<hbm>>
      %dma_wait3A_382 = arith.constant 0 : i32
      %dma_wait3A_383 = tpu.memref_slice %arg4[%add3A_182, %dma_wait3A_382] : memref<65536x128xf32, #tpu.memory_space<hbm>> -> memref<512x128xf32, #tpu.memory_space<hbm>>
      tpu.wait_dma2 semaphore(%run_scoped3A : memref<!tpu.dma_semaphore, #tpu.memory_space<semaphore_mem>>) src(%arg6 : memref<512x128xf32, #tpu.memory_space<vmem>>) dst(%dma_wait3A_383 : memref<512x128xf32, #tpu.memory_space<hbm>>)
      tpu.yield
    }) : () -> ()
    %mul3A_183 = arith.constant 2048 : i32
    %mul3A_184 = arith.muli %add3A, %mul3A_183 : i32
    %add3A_185 = arith.constant 1024 : i32
    %add3A_186 = arith.addi %mul3A_184, %add3A_185 : i32
    %jit3A_187 = arith.constant 128 : i32
    %div3A_188 = arith.divsi %add3A_186, %jit3A_187 : i32
    %sign3A_189 = arith.constant 0 : i32
    %sign3A_190 = arith.cmpi sgt, %add3A_186, %sign3A_189 : i32
    %sign3A_191 = arith.extui %sign3A_190 : i1 to i32
    %sign3A_192 = arith.constant 0 : i32
    %sign3A_193 = arith.cmpi slt, %add3A_186, %sign3A_192 : i32
    %sign3A_194 = arith.extui %sign3A_193 : i1 to i32
    %sign3A_195 = arith.subi %sign3A_191, %sign3A_194 : i32
    %sign3A_196 = arith.constant 0 : i32
    %sign3A_197 = arith.cmpi sgt, %jit3A_187, %sign3A_196 : i32
    %sign3A_198 = arith.extui %sign3A_197 : i1 to i32
    %sign3A_199 = arith.constant 0 : i32
    %sign3A_200 = arith.cmpi slt, %jit3A_187, %sign3A_199 : i32
    %sign3A_201 = arith.extui %sign3A_200 : i1 to i32
    %sign3A_202 = arith.subi %sign3A_198, %sign3A_201 : i32
    %ne3A_203 = arith.cmpi ne, %sign3A_195, %sign3A_202 : i32
    %rem3A_204 = arith.remsi %add3A_186, %jit3A_187 : i32
    %ne3A_205 = arith.constant 0 : i32
    %ne3A_206 = arith.cmpi ne, %rem3A_204, %ne3A_205 : i32
    %and3A_207 = arith.andi %ne3A_203, %ne3A_206 : i1
    %sub3A_208 = arith.constant 1 : i32
    %sub3A_209 = arith.subi %div3A_188, %sub3A_208 : i32
    %select_n3A_210 = arith.select %and3A_207, %sub3A_209, %div3A_188 : i32
    %multiple_of3A_211 = tpu.assume_multiple %select_n3A_210, 8 : i32
    "tpu.region"() ({
      %run_scoped3A = tpu.sem_alloc : memref<!tpu.dma_semaphore, #tpu.memory_space<semaphore_mem>>
      %dma_start3A_376 = arith.constant 0 : i32
      %dma_start3A_377 = tpu.memref_slice %arg3[%multiple_of3A_211, %dma_start3A_376] : memref<512x128xi32, #tpu.memory_space<hbm>> -> memref<8x128xi32, #tpu.memory_space<hbm>>
      %dma_start3A_378 = arith.constant 0 : i32
      %dma_start3A_379 = tpu.memref_slice %arg3[%multiple_of3A_211, %dma_start3A_378] : memref<512x128xi32, #tpu.memory_space<hbm>> -> memref<8x128xi32, #tpu.memory_space<hbm>>
      tpu.enqueue_dma source(%dma_start3A_379 : memref<8x128xi32, #tpu.memory_space<hbm>>) target(%arg5 : memref<8x128xi32, #tpu.memory_space<vmem>>) target_semaphore(%run_scoped3A : memref<!tpu.dma_semaphore, #tpu.memory_space<semaphore_mem>>)
      %dma_wait3A_380 = arith.constant 0 : i32
      %dma_wait3A_381 = tpu.memref_slice %arg3[%multiple_of3A_211, %dma_wait3A_380] : memref<512x128xi32, #tpu.memory_space<hbm>> -> memref<8x128xi32, #tpu.memory_space<hbm>>
      %dma_wait3A_382 = arith.constant 0 : i32
      %dma_wait3A_383 = tpu.memref_slice %arg3[%multiple_of3A_211, %dma_wait3A_382] : memref<512x128xi32, #tpu.memory_space<hbm>> -> memref<8x128xi32, #tpu.memory_space<hbm>>
      tpu.wait_dma2 semaphore(%run_scoped3A : memref<!tpu.dma_semaphore, #tpu.memory_space<semaphore_mem>>) src(%dma_wait3A_383 : memref<8x128xi32, #tpu.memory_space<hbm>>) dst(%arg5 : memref<8x128xi32, #tpu.memory_space<vmem>>)
      tpu.yield
    }) : () -> ()
    %dma_start3A_212 = arith.constant 0 : i32
    %dma_start3A_213 = arith.constant 0 : i32
    %dma_start3A_214 = arith.constant 0 : i32
    %dma_start3A_215 = tpu.memref_slice %arg6[%dma_start3A_213, %dma_start3A_214] : memref<512x128xf32, #tpu.memory_space<vmem>> -> memref<128x128xf32, #tpu.memory_space<vmem>>
    %dma_start3A_216 = arith.constant 0 : i32
    %dma_start3A_217 = tpu.memref_slice %arg5[%dma_start3A_212, %dma_start3A_216] : memref<8x128xi32, #tpu.memory_space<vmem>> -> memref<1x128xi32, #tpu.memory_space<vmem>>
    %dma_start3A_218 = tpu.memref_squeeze %dma_start3A_217 : memref<1x128xi32, #tpu.memory_space<vmem>> -> memref<128xi32, #tpu.memory_space<vmem>>
    %dma_start3A_219 = arith.constant 0 : i32
    %dma_start3A_220 = arith.constant 0 : i32
    %dma_start3A_221 = tpu.memref_slice %arg2[%dma_start3A_219, %dma_start3A_220] : memref<73728x128xf32, #tpu.memory_space<hbm>> -> memref<73728x128xf32, #tpu.memory_space<hbm>>
    tpu.enqueue_indirect_dma source(%dma_start3A_221 : memref<73728x128xf32, #tpu.memory_space<hbm>>) target(%dma_start3A_215 : memref<128x128xf32, #tpu.memory_space<vmem>>) offsets(%dma_start3A_218 : memref<128xi32, #tpu.memory_space<vmem>>) semaphore(%arg7 : memref<!tpu.dma_semaphore, #tpu.memory_space<semaphore_mem>>)
    %dma_start3A_222 = arith.constant 1 : i32
    %dma_start3A_223 = arith.constant 128 : i32
    %dma_start3A_224 = arith.constant 0 : i32
    %dma_start3A_225 = tpu.memref_slice %arg6[%dma_start3A_223, %dma_start3A_224] : memref<512x128xf32, #tpu.memory_space<vmem>> -> memref<128x128xf32, #tpu.memory_space<vmem>>
    %dma_start3A_226 = arith.constant 0 : i32
    %dma_start3A_227 = tpu.memref_slice %arg5[%dma_start3A_222, %dma_start3A_226] : memref<8x128xi32, #tpu.memory_space<vmem>> -> memref<1x128xi32, #tpu.memory_space<vmem>>
    %dma_start3A_228 = tpu.memref_squeeze %dma_start3A_227 : memref<1x128xi32, #tpu.memory_space<vmem>> -> memref<128xi32, #tpu.memory_space<vmem>>
    %dma_start3A_229 = arith.constant 0 : i32
    %dma_start3A_230 = arith.constant 0 : i32
    %dma_start3A_231 = tpu.memref_slice %arg2[%dma_start3A_229, %dma_start3A_230] : memref<73728x128xf32, #tpu.memory_space<hbm>> -> memref<73728x128xf32, #tpu.memory_space<hbm>>
    tpu.enqueue_indirect_dma source(%dma_start3A_231 : memref<73728x128xf32, #tpu.memory_space<hbm>>) target(%dma_start3A_225 : memref<128x128xf32, #tpu.memory_space<vmem>>) offsets(%dma_start3A_228 : memref<128xi32, #tpu.memory_space<vmem>>) semaphore(%arg7 : memref<!tpu.dma_semaphore, #tpu.memory_space<semaphore_mem>>)
    %dma_start3A_232 = arith.constant 2 : i32
    %dma_start3A_233 = arith.constant 256 : i32
    %dma_start3A_234 = arith.constant 0 : i32
    %dma_start3A_235 = tpu.memref_slice %arg6[%dma_start3A_233, %dma_start3A_234] : memref<512x128xf32, #tpu.memory_space<vmem>> -> memref<128x128xf32, #tpu.memory_space<vmem>>
    %dma_start3A_236 = arith.constant 0 : i32
    %dma_start3A_237 = tpu.memref_slice %arg5[%dma_start3A_232, %dma_start3A_236] : memref<8x128xi32, #tpu.memory_space<vmem>> -> memref<1x128xi32, #tpu.memory_space<vmem>>
    %dma_start3A_238 = tpu.memref_squeeze %dma_start3A_237 : memref<1x128xi32, #tpu.memory_space<vmem>> -> memref<128xi32, #tpu.memory_space<vmem>>
    %dma_start3A_239 = arith.constant 0 : i32
    %dma_start3A_240 = arith.constant 0 : i32
    %dma_start3A_241 = tpu.memref_slice %arg2[%dma_start3A_239, %dma_start3A_240] : memref<73728x128xf32, #tpu.memory_space<hbm>> -> memref<73728x128xf32, #tpu.memory_space<hbm>>
    tpu.enqueue_indirect_dma source(%dma_start3A_241 : memref<73728x128xf32, #tpu.memory_space<hbm>>) target(%dma_start3A_235 : memref<128x128xf32, #tpu.memory_space<vmem>>) offsets(%dma_start3A_238 : memref<128xi32, #tpu.memory_space<vmem>>) semaphore(%arg7 : memref<!tpu.dma_semaphore, #tpu.memory_space<semaphore_mem>>)
    %dma_start3A_242 = arith.constant 3 : i32
    %dma_start3A_243 = arith.constant 384 : i32
    %dma_start3A_244 = arith.constant 0 : i32
    %dma_start3A_245 = tpu.memref_slice %arg6[%dma_start3A_243, %dma_start3A_244] : memref<512x128xf32, #tpu.memory_space<vmem>> -> memref<128x128xf32, #tpu.memory_space<vmem>>
    %dma_start3A_246 = arith.constant 0 : i32
    %dma_start3A_247 = tpu.memref_slice %arg5[%dma_start3A_242, %dma_start3A_246] : memref<8x128xi32, #tpu.memory_space<vmem>> -> memref<1x128xi32, #tpu.memory_space<vmem>>
    %dma_start3A_248 = tpu.memref_squeeze %dma_start3A_247 : memref<1x128xi32, #tpu.memory_space<vmem>> -> memref<128xi32, #tpu.memory_space<vmem>>
    %dma_start3A_249 = arith.constant 0 : i32
    %dma_start3A_250 = arith.constant 0 : i32
    %dma_start3A_251 = tpu.memref_slice %arg2[%dma_start3A_249, %dma_start3A_250] : memref<73728x128xf32, #tpu.memory_space<hbm>> -> memref<73728x128xf32, #tpu.memory_space<hbm>>
    tpu.enqueue_indirect_dma source(%dma_start3A_251 : memref<73728x128xf32, #tpu.memory_space<hbm>>) target(%dma_start3A_245 : memref<128x128xf32, #tpu.memory_space<vmem>>) offsets(%dma_start3A_248 : memref<128xi32, #tpu.memory_space<vmem>>) semaphore(%arg7 : memref<!tpu.dma_semaphore, #tpu.memory_space<semaphore_mem>>)
    %dma_wait3A_252 = arith.constant 0 : i32
    %dma_wait3A_253 = arith.constant 0 : i32
    %dma_wait3A_254 = arith.constant 0 : i32
    %dma_wait3A_255 = tpu.memref_slice %arg6[%dma_wait3A_253, %dma_wait3A_254] : memref<512x128xf32, #tpu.memory_space<vmem>> -> memref<128x128xf32, #tpu.memory_space<vmem>>
    %dma_wait3A_256 = arith.constant 0 : i32
    %dma_wait3A_257 = tpu.memref_slice %arg5[%dma_wait3A_252, %dma_wait3A_256] : memref<8x128xi32, #tpu.memory_space<vmem>> -> memref<1x128xi32, #tpu.memory_space<vmem>>
    %dma_wait3A_258 = tpu.memref_squeeze %dma_wait3A_257 : memref<1x128xi32, #tpu.memory_space<vmem>> -> memref<128xi32, #tpu.memory_space<vmem>>
    %dma_wait3A_259 = arith.constant 0 : i32
    %dma_wait3A_260 = arith.constant 0 : i32
    %dma_wait3A_261 = tpu.memref_slice %arg2[%dma_wait3A_259, %dma_wait3A_260] : memref<73728x128xf32, #tpu.memory_space<hbm>> -> memref<73728x128xf32, #tpu.memory_space<hbm>>
    tpu.wait_indirect_dma semaphore(%arg7 : memref<!tpu.dma_semaphore, #tpu.memory_space<semaphore_mem>>) src(%dma_wait3A_261 : memref<73728x128xf32, #tpu.memory_space<hbm>>) dst(%dma_wait3A_255 : memref<128x128xf32, #tpu.memory_space<vmem>>)
    %dma_wait3A_262 = arith.constant 1 : i32
    %dma_wait3A_263 = arith.constant 128 : i32
    %dma_wait3A_264 = arith.constant 0 : i32
    %dma_wait3A_265 = tpu.memref_slice %arg6[%dma_wait3A_263, %dma_wait3A_264] : memref<512x128xf32, #tpu.memory_space<vmem>> -> memref<128x128xf32, #tpu.memory_space<vmem>>
    %dma_wait3A_266 = arith.constant 0 : i32
    %dma_wait3A_267 = tpu.memref_slice %arg5[%dma_wait3A_262, %dma_wait3A_266] : memref<8x128xi32, #tpu.memory_space<vmem>> -> memref<1x128xi32, #tpu.memory_space<vmem>>
    %dma_wait3A_268 = tpu.memref_squeeze %dma_wait3A_267 : memref<1x128xi32, #tpu.memory_space<vmem>> -> memref<128xi32, #tpu.memory_space<vmem>>
    %dma_wait3A_269 = arith.constant 0 : i32
    %dma_wait3A_270 = arith.constant 0 : i32
    %dma_wait3A_271 = tpu.memref_slice %arg2[%dma_wait3A_269, %dma_wait3A_270] : memref<73728x128xf32, #tpu.memory_space<hbm>> -> memref<73728x128xf32, #tpu.memory_space<hbm>>
    tpu.wait_indirect_dma semaphore(%arg7 : memref<!tpu.dma_semaphore, #tpu.memory_space<semaphore_mem>>) src(%dma_wait3A_271 : memref<73728x128xf32, #tpu.memory_space<hbm>>) dst(%dma_wait3A_265 : memref<128x128xf32, #tpu.memory_space<vmem>>)
    %dma_wait3A_272 = arith.constant 2 : i32
    %dma_wait3A_273 = arith.constant 256 : i32
    %dma_wait3A_274 = arith.constant 0 : i32
    %dma_wait3A_275 = tpu.memref_slice %arg6[%dma_wait3A_273, %dma_wait3A_274] : memref<512x128xf32, #tpu.memory_space<vmem>> -> memref<128x128xf32, #tpu.memory_space<vmem>>
    %dma_wait3A_276 = arith.constant 0 : i32
    %dma_wait3A_277 = tpu.memref_slice %arg5[%dma_wait3A_272, %dma_wait3A_276] : memref<8x128xi32, #tpu.memory_space<vmem>> -> memref<1x128xi32, #tpu.memory_space<vmem>>
    %dma_wait3A_278 = tpu.memref_squeeze %dma_wait3A_277 : memref<1x128xi32, #tpu.memory_space<vmem>> -> memref<128xi32, #tpu.memory_space<vmem>>
    %dma_wait3A_279 = arith.constant 0 : i32
    %dma_wait3A_280 = arith.constant 0 : i32
    %dma_wait3A_281 = tpu.memref_slice %arg2[%dma_wait3A_279, %dma_wait3A_280] : memref<73728x128xf32, #tpu.memory_space<hbm>> -> memref<73728x128xf32, #tpu.memory_space<hbm>>
    tpu.wait_indirect_dma semaphore(%arg7 : memref<!tpu.dma_semaphore, #tpu.memory_space<semaphore_mem>>) src(%dma_wait3A_281 : memref<73728x128xf32, #tpu.memory_space<hbm>>) dst(%dma_wait3A_275 : memref<128x128xf32, #tpu.memory_space<vmem>>)
    %dma_wait3A_282 = arith.constant 3 : i32
    %dma_wait3A_283 = arith.constant 384 : i32
    %dma_wait3A_284 = arith.constant 0 : i32
    %dma_wait3A_285 = tpu.memref_slice %arg6[%dma_wait3A_283, %dma_wait3A_284] : memref<512x128xf32, #tpu.memory_space<vmem>> -> memref<128x128xf32, #tpu.memory_space<vmem>>
    %dma_wait3A_286 = arith.constant 0 : i32
    %dma_wait3A_287 = tpu.memref_slice %arg5[%dma_wait3A_282, %dma_wait3A_286] : memref<8x128xi32, #tpu.memory_space<vmem>> -> memref<1x128xi32, #tpu.memory_space<vmem>>
    %dma_wait3A_288 = tpu.memref_squeeze %dma_wait3A_287 : memref<1x128xi32, #tpu.memory_space<vmem>> -> memref<128xi32, #tpu.memory_space<vmem>>
    %dma_wait3A_289 = arith.constant 0 : i32
    %dma_wait3A_290 = arith.constant 0 : i32
    %dma_wait3A_291 = tpu.memref_slice %arg2[%dma_wait3A_289, %dma_wait3A_290] : memref<73728x128xf32, #tpu.memory_space<hbm>> -> memref<73728x128xf32, #tpu.memory_space<hbm>>
    tpu.wait_indirect_dma semaphore(%arg7 : memref<!tpu.dma_semaphore, #tpu.memory_space<semaphore_mem>>) src(%dma_wait3A_291 : memref<73728x128xf32, #tpu.memory_space<hbm>>) dst(%dma_wait3A_285 : memref<128x128xf32, #tpu.memory_space<vmem>>)
    %add3A_292 = arith.constant 0 : i32
    %add3A_293 = arith.addi %add3A_186, %add3A_292 : i32
    "tpu.region"() ({
      %run_scoped3A = tpu.sem_alloc : memref<!tpu.dma_semaphore, #tpu.memory_space<semaphore_mem>>
      %dma_start3A_376 = arith.constant 0 : i32
      %dma_start3A_377 = tpu.memref_slice %arg4[%add3A_293, %dma_start3A_376] : memref<65536x128xf32, #tpu.memory_space<hbm>> -> memref<512x128xf32, #tpu.memory_space<hbm>>
      %dma_start3A_378 = arith.constant 0 : i32
      %dma_start3A_379 = tpu.memref_slice %arg4[%add3A_293, %dma_start3A_378] : memref<65536x128xf32, #tpu.memory_space<hbm>> -> memref<512x128xf32, #tpu.memory_space<hbm>>
      tpu.enqueue_dma source(%arg6 : memref<512x128xf32, #tpu.memory_space<vmem>>) target(%dma_start3A_379 : memref<512x128xf32, #tpu.memory_space<hbm>>) target_semaphore(%run_scoped3A : memref<!tpu.dma_semaphore, #tpu.memory_space<semaphore_mem>>)
      %dma_wait3A_380 = arith.constant 0 : i32
      %dma_wait3A_381 = tpu.memref_slice %arg4[%add3A_293, %dma_wait3A_380] : memref<65536x128xf32, #tpu.memory_space<hbm>> -> memref<512x128xf32, #tpu.memory_space<hbm>>
      %dma_wait3A_382 = arith.constant 0 : i32
      %dma_wait3A_383 = tpu.memref_slice %arg4[%add3A_293, %dma_wait3A_382] : memref<65536x128xf32, #tpu.memory_space<hbm>> -> memref<512x128xf32, #tpu.memory_space<hbm>>
      tpu.wait_dma2 semaphore(%run_scoped3A : memref<!tpu.dma_semaphore, #tpu.memory_space<semaphore_mem>>) src(%arg6 : memref<512x128xf32, #tpu.memory_space<vmem>>) dst(%dma_wait3A_383 : memref<512x128xf32, #tpu.memory_space<hbm>>)
      tpu.yield
    }) : () -> ()
    %dma_start3A_294 = arith.constant 4 : i32
    %dma_start3A_295 = arith.constant 0 : i32
    %dma_start3A_296 = arith.constant 0 : i32
    %dma_start3A_297 = tpu.memref_slice %arg6[%dma_start3A_295, %dma_start3A_296] : memref<512x128xf32, #tpu.memory_space<vmem>> -> memref<128x128xf32, #tpu.memory_space<vmem>>
    %dma_start3A_298 = arith.constant 0 : i32
    %dma_start3A_299 = tpu.memref_slice %arg5[%dma_start3A_294, %dma_start3A_298] : memref<8x128xi32, #tpu.memory_space<vmem>> -> memref<1x128xi32, #tpu.memory_space<vmem>>
    %dma_start3A_300 = tpu.memref_squeeze %dma_start3A_299 : memref<1x128xi32, #tpu.memory_space<vmem>> -> memref<128xi32, #tpu.memory_space<vmem>>
    %dma_start3A_301 = arith.constant 0 : i32
    %dma_start3A_302 = arith.constant 0 : i32
    %dma_start3A_303 = tpu.memref_slice %arg2[%dma_start3A_301, %dma_start3A_302] : memref<73728x128xf32, #tpu.memory_space<hbm>> -> memref<73728x128xf32, #tpu.memory_space<hbm>>
    tpu.enqueue_indirect_dma source(%dma_start3A_303 : memref<73728x128xf32, #tpu.memory_space<hbm>>) target(%dma_start3A_297 : memref<128x128xf32, #tpu.memory_space<vmem>>) offsets(%dma_start3A_300 : memref<128xi32, #tpu.memory_space<vmem>>) semaphore(%arg7 : memref<!tpu.dma_semaphore, #tpu.memory_space<semaphore_mem>>)
    %dma_start3A_304 = arith.constant 5 : i32
    %dma_start3A_305 = arith.constant 128 : i32
    %dma_start3A_306 = arith.constant 0 : i32
    %dma_start3A_307 = tpu.memref_slice %arg6[%dma_start3A_305, %dma_start3A_306] : memref<512x128xf32, #tpu.memory_space<vmem>> -> memref<128x128xf32, #tpu.memory_space<vmem>>
    %dma_start3A_308 = arith.constant 0 : i32
    %dma_start3A_309 = tpu.memref_slice %arg5[%dma_start3A_304, %dma_start3A_308] : memref<8x128xi32, #tpu.memory_space<vmem>> -> memref<1x128xi32, #tpu.memory_space<vmem>>
    %dma_start3A_310 = tpu.memref_squeeze %dma_start3A_309 : memref<1x128xi32, #tpu.memory_space<vmem>> -> memref<128xi32, #tpu.memory_space<vmem>>
    %dma_start3A_311 = arith.constant 0 : i32
    %dma_start3A_312 = arith.constant 0 : i32
    %dma_start3A_313 = tpu.memref_slice %arg2[%dma_start3A_311, %dma_start3A_312] : memref<73728x128xf32, #tpu.memory_space<hbm>> -> memref<73728x128xf32, #tpu.memory_space<hbm>>
    tpu.enqueue_indirect_dma source(%dma_start3A_313 : memref<73728x128xf32, #tpu.memory_space<hbm>>) target(%dma_start3A_307 : memref<128x128xf32, #tpu.memory_space<vmem>>) offsets(%dma_start3A_310 : memref<128xi32, #tpu.memory_space<vmem>>) semaphore(%arg7 : memref<!tpu.dma_semaphore, #tpu.memory_space<semaphore_mem>>)
    %dma_start3A_314 = arith.constant 6 : i32
    %dma_start3A_315 = arith.constant 256 : i32
    %dma_start3A_316 = arith.constant 0 : i32
    %dma_start3A_317 = tpu.memref_slice %arg6[%dma_start3A_315, %dma_start3A_316] : memref<512x128xf32, #tpu.memory_space<vmem>> -> memref<128x128xf32, #tpu.memory_space<vmem>>
    %dma_start3A_318 = arith.constant 0 : i32
    %dma_start3A_319 = tpu.memref_slice %arg5[%dma_start3A_314, %dma_start3A_318] : memref<8x128xi32, #tpu.memory_space<vmem>> -> memref<1x128xi32, #tpu.memory_space<vmem>>
    %dma_start3A_320 = tpu.memref_squeeze %dma_start3A_319 : memref<1x128xi32, #tpu.memory_space<vmem>> -> memref<128xi32, #tpu.memory_space<vmem>>
    %dma_start3A_321 = arith.constant 0 : i32
    %dma_start3A_322 = arith.constant 0 : i32
    %dma_start3A_323 = tpu.memref_slice %arg2[%dma_start3A_321, %dma_start3A_322] : memref<73728x128xf32, #tpu.memory_space<hbm>> -> memref<73728x128xf32, #tpu.memory_space<hbm>>
    tpu.enqueue_indirect_dma source(%dma_start3A_323 : memref<73728x128xf32, #tpu.memory_space<hbm>>) target(%dma_start3A_317 : memref<128x128xf32, #tpu.memory_space<vmem>>) offsets(%dma_start3A_320 : memref<128xi32, #tpu.memory_space<vmem>>) semaphore(%arg7 : memref<!tpu.dma_semaphore, #tpu.memory_space<semaphore_mem>>)
    %dma_start3A_324 = arith.constant 7 : i32
    %dma_start3A_325 = arith.constant 384 : i32
    %dma_start3A_326 = arith.constant 0 : i32
    %dma_start3A_327 = tpu.memref_slice %arg6[%dma_start3A_325, %dma_start3A_326] : memref<512x128xf32, #tpu.memory_space<vmem>> -> memref<128x128xf32, #tpu.memory_space<vmem>>
    %dma_start3A_328 = arith.constant 0 : i32
    %dma_start3A_329 = tpu.memref_slice %arg5[%dma_start3A_324, %dma_start3A_328] : memref<8x128xi32, #tpu.memory_space<vmem>> -> memref<1x128xi32, #tpu.memory_space<vmem>>
    %dma_start3A_330 = tpu.memref_squeeze %dma_start3A_329 : memref<1x128xi32, #tpu.memory_space<vmem>> -> memref<128xi32, #tpu.memory_space<vmem>>
    %dma_start3A_331 = arith.constant 0 : i32
    %dma_start3A_332 = arith.constant 0 : i32
    %dma_start3A_333 = tpu.memref_slice %arg2[%dma_start3A_331, %dma_start3A_332] : memref<73728x128xf32, #tpu.memory_space<hbm>> -> memref<73728x128xf32, #tpu.memory_space<hbm>>
    tpu.enqueue_indirect_dma source(%dma_start3A_333 : memref<73728x128xf32, #tpu.memory_space<hbm>>) target(%dma_start3A_327 : memref<128x128xf32, #tpu.memory_space<vmem>>) offsets(%dma_start3A_330 : memref<128xi32, #tpu.memory_space<vmem>>) semaphore(%arg7 : memref<!tpu.dma_semaphore, #tpu.memory_space<semaphore_mem>>)
    %dma_wait3A_334 = arith.constant 4 : i32
    %dma_wait3A_335 = arith.constant 0 : i32
    %dma_wait3A_336 = arith.constant 0 : i32
    %dma_wait3A_337 = tpu.memref_slice %arg6[%dma_wait3A_335, %dma_wait3A_336] : memref<512x128xf32, #tpu.memory_space<vmem>> -> memref<128x128xf32, #tpu.memory_space<vmem>>
    %dma_wait3A_338 = arith.constant 0 : i32
    %dma_wait3A_339 = tpu.memref_slice %arg5[%dma_wait3A_334, %dma_wait3A_338] : memref<8x128xi32, #tpu.memory_space<vmem>> -> memref<1x128xi32, #tpu.memory_space<vmem>>
    %dma_wait3A_340 = tpu.memref_squeeze %dma_wait3A_339 : memref<1x128xi32, #tpu.memory_space<vmem>> -> memref<128xi32, #tpu.memory_space<vmem>>
    %dma_wait3A_341 = arith.constant 0 : i32
    %dma_wait3A_342 = arith.constant 0 : i32
    %dma_wait3A_343 = tpu.memref_slice %arg2[%dma_wait3A_341, %dma_wait3A_342] : memref<73728x128xf32, #tpu.memory_space<hbm>> -> memref<73728x128xf32, #tpu.memory_space<hbm>>
    tpu.wait_indirect_dma semaphore(%arg7 : memref<!tpu.dma_semaphore, #tpu.memory_space<semaphore_mem>>) src(%dma_wait3A_343 : memref<73728x128xf32, #tpu.memory_space<hbm>>) dst(%dma_wait3A_337 : memref<128x128xf32, #tpu.memory_space<vmem>>)
    %dma_wait3A_344 = arith.constant 5 : i32
    %dma_wait3A_345 = arith.constant 128 : i32
    %dma_wait3A_346 = arith.constant 0 : i32
    %dma_wait3A_347 = tpu.memref_slice %arg6[%dma_wait3A_345, %dma_wait3A_346] : memref<512x128xf32, #tpu.memory_space<vmem>> -> memref<128x128xf32, #tpu.memory_space<vmem>>
    %dma_wait3A_348 = arith.constant 0 : i32
    %dma_wait3A_349 = tpu.memref_slice %arg5[%dma_wait3A_344, %dma_wait3A_348] : memref<8x128xi32, #tpu.memory_space<vmem>> -> memref<1x128xi32, #tpu.memory_space<vmem>>
    %dma_wait3A_350 = tpu.memref_squeeze %dma_wait3A_349 : memref<1x128xi32, #tpu.memory_space<vmem>> -> memref<128xi32, #tpu.memory_space<vmem>>
    %dma_wait3A_351 = arith.constant 0 : i32
    %dma_wait3A_352 = arith.constant 0 : i32
    %dma_wait3A_353 = tpu.memref_slice %arg2[%dma_wait3A_351, %dma_wait3A_352] : memref<73728x128xf32, #tpu.memory_space<hbm>> -> memref<73728x128xf32, #tpu.memory_space<hbm>>
    tpu.wait_indirect_dma semaphore(%arg7 : memref<!tpu.dma_semaphore, #tpu.memory_space<semaphore_mem>>) src(%dma_wait3A_353 : memref<73728x128xf32, #tpu.memory_space<hbm>>) dst(%dma_wait3A_347 : memref<128x128xf32, #tpu.memory_space<vmem>>)
    %dma_wait3A_354 = arith.constant 6 : i32
    %dma_wait3A_355 = arith.constant 256 : i32
    %dma_wait3A_356 = arith.constant 0 : i32
    %dma_wait3A_357 = tpu.memref_slice %arg6[%dma_wait3A_355, %dma_wait3A_356] : memref<512x128xf32, #tpu.memory_space<vmem>> -> memref<128x128xf32, #tpu.memory_space<vmem>>
    %dma_wait3A_358 = arith.constant 0 : i32
    %dma_wait3A_359 = tpu.memref_slice %arg5[%dma_wait3A_354, %dma_wait3A_358] : memref<8x128xi32, #tpu.memory_space<vmem>> -> memref<1x128xi32, #tpu.memory_space<vmem>>
    %dma_wait3A_360 = tpu.memref_squeeze %dma_wait3A_359 : memref<1x128xi32, #tpu.memory_space<vmem>> -> memref<128xi32, #tpu.memory_space<vmem>>
    %dma_wait3A_361 = arith.constant 0 : i32
    %dma_wait3A_362 = arith.constant 0 : i32
    %dma_wait3A_363 = tpu.memref_slice %arg2[%dma_wait3A_361, %dma_wait3A_362] : memref<73728x128xf32, #tpu.memory_space<hbm>> -> memref<73728x128xf32, #tpu.memory_space<hbm>>
    tpu.wait_indirect_dma semaphore(%arg7 : memref<!tpu.dma_semaphore, #tpu.memory_space<semaphore_mem>>) src(%dma_wait3A_363 : memref<73728x128xf32, #tpu.memory_space<hbm>>) dst(%dma_wait3A_357 : memref<128x128xf32, #tpu.memory_space<vmem>>)
    %dma_wait3A_364 = arith.constant 7 : i32
    %dma_wait3A_365 = arith.constant 384 : i32
    %dma_wait3A_366 = arith.constant 0 : i32
    %dma_wait3A_367 = tpu.memref_slice %arg6[%dma_wait3A_365, %dma_wait3A_366] : memref<512x128xf32, #tpu.memory_space<vmem>> -> memref<128x128xf32, #tpu.memory_space<vmem>>
    %dma_wait3A_368 = arith.constant 0 : i32
    %dma_wait3A_369 = tpu.memref_slice %arg5[%dma_wait3A_364, %dma_wait3A_368] : memref<8x128xi32, #tpu.memory_space<vmem>> -> memref<1x128xi32, #tpu.memory_space<vmem>>
    %dma_wait3A_370 = tpu.memref_squeeze %dma_wait3A_369 : memref<1x128xi32, #tpu.memory_space<vmem>> -> memref<128xi32, #tpu.memory_space<vmem>>
    %dma_wait3A_371 = arith.constant 0 : i32
    %dma_wait3A_372 = arith.constant 0 : i32
    %dma_wait3A_373 = tpu.memref_slice %arg2[%dma_wait3A_371, %dma_wait3A_372] : memref<73728x128xf32, #tpu.memory_space<hbm>> -> memref<73728x128xf32, #tpu.memory_space<hbm>>
    tpu.wait_indirect_dma semaphore(%arg7 : memref<!tpu.dma_semaphore, #tpu.memory_space<semaphore_mem>>) src(%dma_wait3A_373 : memref<73728x128xf32, #tpu.memory_space<hbm>>) dst(%dma_wait3A_367 : memref<128x128xf32, #tpu.memory_space<vmem>>)
    %add3A_374 = arith.constant 512 : i32
    %add3A_375 = arith.addi %add3A_186, %add3A_374 : i32
    "tpu.region"() ({
      %run_scoped3A = tpu.sem_alloc : memref<!tpu.dma_semaphore, #tpu.memory_space<semaphore_mem>>
      %dma_start3A_376 = arith.constant 0 : i32
      %dma_start3A_377 = tpu.memref_slice %arg4[%add3A_375, %dma_start3A_376] : memref<65536x128xf32, #tpu.memory_space<hbm>> -> memref<512x128xf32, #tpu.memory_space<hbm>>
      %dma_start3A_378 = arith.constant 0 : i32
      %dma_start3A_379 = tpu.memref_slice %arg4[%add3A_375, %dma_start3A_378] : memref<65536x128xf32, #tpu.memory_space<hbm>> -> memref<512x128xf32, #tpu.memory_space<hbm>>
      tpu.enqueue_dma source(%arg6 : memref<512x128xf32, #tpu.memory_space<vmem>>) target(%dma_start3A_379 : memref<512x128xf32, #tpu.memory_space<hbm>>) target_semaphore(%run_scoped3A : memref<!tpu.dma_semaphore, #tpu.memory_space<semaphore_mem>>)
      %dma_wait3A_380 = arith.constant 0 : i32
      %dma_wait3A_381 = tpu.memref_slice %arg4[%add3A_375, %dma_wait3A_380] : memref<65536x128xf32, #tpu.memory_space<hbm>> -> memref<512x128xf32, #tpu.memory_space<hbm>>
      %dma_wait3A_382 = arith.constant 0 : i32
      %dma_wait3A_383 = tpu.memref_slice %arg4[%add3A_375, %dma_wait3A_382] : memref<65536x128xf32, #tpu.memory_space<hbm>> -> memref<512x128xf32, #tpu.memory_space<hbm>>
      tpu.wait_dma2 semaphore(%run_scoped3A : memref<!tpu.dma_semaphore, #tpu.memory_space<semaphore_mem>>) src(%arg6 : memref<512x128xf32, #tpu.memory_space<vmem>>) dst(%dma_wait3A_383 : memref<512x128xf32, #tpu.memory_space<hbm>>)
      tpu.yield
    }) : () -> ()
    return
  }
}

#map = affine_map<(d0, d1) -> (0, 0)>
module attributes {stable_mosaic.version = 14 : i64} {
  func.func @_sc_scatter_body(%arg0: i32, %arg1: i32, %arg2: memref<65536x128xf32, #tpu.memory_space<hbm>>, %arg3: memref<512x128xi32, #tpu.memory_space<hbm>>, %arg4: memref<73728x128xf32, #tpu.memory_space<hbm>>, %arg5: memref<8x128xi32, #tpu.memory_space<vmem>>, %arg6: memref<512x128xf32, #tpu.memory_space<vmem>>, %arg7: memref<!tpu.dma_semaphore, #tpu.memory_space<semaphore_mem>>) attributes {dimension_semantics = [#tpu.dimension_semantics<core_parallel>, #tpu.dimension_semantics<subcore_parallel>], iteration_bounds = array<i64: 2, 16>, scalar_prefetch = 0 : i64, scratch_operands = 3 : i64, tpu.core_type = #tpu.core_type<sc_vector_subcore>, window_params = [{transform_indices = #map}, {transform_indices = #map}, {transform_indices = #map}]} {
    %mul3A = arith.constant 2 : i32
    %mul3A_0 = arith.muli %arg1, %mul3A : i32
    %add3A = arith.addi %mul3A_0, %arg0 : i32
    %mul3A_1 = arith.constant 2048 : i32
    %mul3A_2 = arith.muli %add3A, %mul3A_1 : i32
    %add3A_3 = arith.constant 0 : i32
    %add3A_4 = arith.addi %mul3A_2, %add3A_3 : i32
    %jit3A = arith.constant 128 : i32
    %div3A = arith.divsi %add3A_4, %jit3A : i32
    %sign3A = arith.constant 0 : i32
    %sign3A_5 = arith.cmpi sgt, %add3A_4, %sign3A : i32
    %sign3A_6 = arith.extui %sign3A_5 : i1 to i32
    %sign3A_7 = arith.constant 0 : i32
    %sign3A_8 = arith.cmpi slt, %add3A_4, %sign3A_7 : i32
    %sign3A_9 = arith.extui %sign3A_8 : i1 to i32
    %sign3A_10 = arith.subi %sign3A_6, %sign3A_9 : i32
    %sign3A_11 = arith.constant 0 : i32
    %sign3A_12 = arith.cmpi sgt, %jit3A, %sign3A_11 : i32
    %sign3A_13 = arith.extui %sign3A_12 : i1 to i32
    %sign3A_14 = arith.constant 0 : i32
    %sign3A_15 = arith.cmpi slt, %jit3A, %sign3A_14 : i32
    %sign3A_16 = arith.extui %sign3A_15 : i1 to i32
    %sign3A_17 = arith.subi %sign3A_13, %sign3A_16 : i32
    %ne3A = arith.cmpi ne, %sign3A_10, %sign3A_17 : i32
    %rem3A = arith.remsi %add3A_4, %jit3A : i32
    %ne3A_18 = arith.constant 0 : i32
    %ne3A_19 = arith.cmpi ne, %rem3A, %ne3A_18 : i32
    %and3A = arith.andi %ne3A, %ne3A_19 : i1
    %sub3A = arith.constant 1 : i32
    %sub3A_20 = arith.subi %div3A, %sub3A : i32
    %select_n3A = arith.select %and3A, %sub3A_20, %div3A : i32
    %multiple_of3A = tpu.assume_multiple %select_n3A, 8 : i32
    "tpu.region"() ({
      %run_scoped3A = tpu.sem_alloc : memref<!tpu.dma_semaphore, #tpu.memory_space<semaphore_mem>>
      %dma_start3A_376 = arith.constant 0 : i32
      %dma_start3A_377 = tpu.memref_slice %arg3[%multiple_of3A, %dma_start3A_376] : memref<512x128xi32, #tpu.memory_space<hbm>> -> memref<8x128xi32, #tpu.memory_space<hbm>>
      %dma_start3A_378 = arith.constant 0 : i32
      %dma_start3A_379 = tpu.memref_slice %arg3[%multiple_of3A, %dma_start3A_378] : memref<512x128xi32, #tpu.memory_space<hbm>> -> memref<8x128xi32, #tpu.memory_space<hbm>>
      tpu.enqueue_dma source(%dma_start3A_379 : memref<8x128xi32, #tpu.memory_space<hbm>>) target(%arg5 : memref<8x128xi32, #tpu.memory_space<vmem>>) target_semaphore(%run_scoped3A : memref<!tpu.dma_semaphore, #tpu.memory_space<semaphore_mem>>)
      %dma_wait3A_380 = arith.constant 0 : i32
      %dma_wait3A_381 = tpu.memref_slice %arg3[%multiple_of3A, %dma_wait3A_380] : memref<512x128xi32, #tpu.memory_space<hbm>> -> memref<8x128xi32, #tpu.memory_space<hbm>>
      %dma_wait3A_382 = arith.constant 0 : i32
      %dma_wait3A_383 = tpu.memref_slice %arg3[%multiple_of3A, %dma_wait3A_382] : memref<512x128xi32, #tpu.memory_space<hbm>> -> memref<8x128xi32, #tpu.memory_space<hbm>>
      tpu.wait_dma2 semaphore(%run_scoped3A : memref<!tpu.dma_semaphore, #tpu.memory_space<semaphore_mem>>) src(%dma_wait3A_383 : memref<8x128xi32, #tpu.memory_space<hbm>>) dst(%arg5 : memref<8x128xi32, #tpu.memory_space<vmem>>)
      tpu.yield
    }) : () -> ()
    %add3A_21 = arith.constant 0 : i32
    %add3A_22 = arith.addi %add3A_4, %add3A_21 : i32
    "tpu.region"() ({
      %run_scoped3A = tpu.sem_alloc : memref<!tpu.dma_semaphore, #tpu.memory_space<semaphore_mem>>
      %dma_start3A_376 = arith.constant 0 : i32
      %dma_start3A_377 = tpu.memref_slice %arg2[%add3A_22, %dma_start3A_376] : memref<65536x128xf32, #tpu.memory_space<hbm>> -> memref<512x128xf32, #tpu.memory_space<hbm>>
      %dma_start3A_378 = arith.constant 0 : i32
      %dma_start3A_379 = tpu.memref_slice %arg2[%add3A_22, %dma_start3A_378] : memref<65536x128xf32, #tpu.memory_space<hbm>> -> memref<512x128xf32, #tpu.memory_space<hbm>>
      tpu.enqueue_dma source(%dma_start3A_379 : memref<512x128xf32, #tpu.memory_space<hbm>>) target(%arg6 : memref<512x128xf32, #tpu.memory_space<vmem>>) target_semaphore(%run_scoped3A : memref<!tpu.dma_semaphore, #tpu.memory_space<semaphore_mem>>)
      %dma_wait3A_380 = arith.constant 0 : i32
      %dma_wait3A_381 = tpu.memref_slice %arg2[%add3A_22, %dma_wait3A_380] : memref<65536x128xf32, #tpu.memory_space<hbm>> -> memref<512x128xf32, #tpu.memory_space<hbm>>
      %dma_wait3A_382 = arith.constant 0 : i32
      %dma_wait3A_383 = tpu.memref_slice %arg2[%add3A_22, %dma_wait3A_382] : memref<65536x128xf32, #tpu.memory_space<hbm>> -> memref<512x128xf32, #tpu.memory_space<hbm>>
      tpu.wait_dma2 semaphore(%run_scoped3A : memref<!tpu.dma_semaphore, #tpu.memory_space<semaphore_mem>>) src(%dma_wait3A_383 : memref<512x128xf32, #tpu.memory_space<hbm>>) dst(%arg6 : memref<512x128xf32, #tpu.memory_space<vmem>>)
      tpu.yield
    }) : () -> ()
    %dma_start3A = arith.constant 0 : i32
    %dma_start3A_23 = arith.constant 0 : i32
    %dma_start3A_24 = arith.constant 0 : i32
    %dma_start3A_25 = tpu.memref_slice %arg6[%dma_start3A_23, %dma_start3A_24] : memref<512x128xf32, #tpu.memory_space<vmem>> -> memref<128x128xf32, #tpu.memory_space<vmem>>
    %dma_start3A_26 = arith.constant 0 : i32
    %dma_start3A_27 = tpu.memref_slice %arg5[%dma_start3A, %dma_start3A_26] : memref<8x128xi32, #tpu.memory_space<vmem>> -> memref<1x128xi32, #tpu.memory_space<vmem>>
    %dma_start3A_28 = tpu.memref_squeeze %dma_start3A_27 : memref<1x128xi32, #tpu.memory_space<vmem>> -> memref<128xi32, #tpu.memory_space<vmem>>
    %dma_start3A_29 = arith.constant 0 : i32
    %dma_start3A_30 = arith.constant 0 : i32
    %dma_start3A_31 = tpu.memref_slice %arg4[%dma_start3A_29, %dma_start3A_30] : memref<73728x128xf32, #tpu.memory_space<hbm>> -> memref<73728x128xf32, #tpu.memory_space<hbm>>
    tpu.enqueue_indirect_dma source(%dma_start3A_25 : memref<128x128xf32, #tpu.memory_space<vmem>>) target(%dma_start3A_31 : memref<73728x128xf32, #tpu.memory_space<hbm>>) offsets(%dma_start3A_28 : memref<128xi32, #tpu.memory_space<vmem>>) semaphore(%arg7 : memref<!tpu.dma_semaphore, #tpu.memory_space<semaphore_mem>>)
    %dma_start3A_32 = arith.constant 1 : i32
    %dma_start3A_33 = arith.constant 128 : i32
    %dma_start3A_34 = arith.constant 0 : i32
    %dma_start3A_35 = tpu.memref_slice %arg6[%dma_start3A_33, %dma_start3A_34] : memref<512x128xf32, #tpu.memory_space<vmem>> -> memref<128x128xf32, #tpu.memory_space<vmem>>
    %dma_start3A_36 = arith.constant 0 : i32
    %dma_start3A_37 = tpu.memref_slice %arg5[%dma_start3A_32, %dma_start3A_36] : memref<8x128xi32, #tpu.memory_space<vmem>> -> memref<1x128xi32, #tpu.memory_space<vmem>>
    %dma_start3A_38 = tpu.memref_squeeze %dma_start3A_37 : memref<1x128xi32, #tpu.memory_space<vmem>> -> memref<128xi32, #tpu.memory_space<vmem>>
    %dma_start3A_39 = arith.constant 0 : i32
    %dma_start3A_40 = arith.constant 0 : i32
    %dma_start3A_41 = tpu.memref_slice %arg4[%dma_start3A_39, %dma_start3A_40] : memref<73728x128xf32, #tpu.memory_space<hbm>> -> memref<73728x128xf32, #tpu.memory_space<hbm>>
    tpu.enqueue_indirect_dma source(%dma_start3A_35 : memref<128x128xf32, #tpu.memory_space<vmem>>) target(%dma_start3A_41 : memref<73728x128xf32, #tpu.memory_space<hbm>>) offsets(%dma_start3A_38 : memref<128xi32, #tpu.memory_space<vmem>>) semaphore(%arg7 : memref<!tpu.dma_semaphore, #tpu.memory_space<semaphore_mem>>)
    %dma_start3A_42 = arith.constant 2 : i32
    %dma_start3A_43 = arith.constant 256 : i32
    %dma_start3A_44 = arith.constant 0 : i32
    %dma_start3A_45 = tpu.memref_slice %arg6[%dma_start3A_43, %dma_start3A_44] : memref<512x128xf32, #tpu.memory_space<vmem>> -> memref<128x128xf32, #tpu.memory_space<vmem>>
    %dma_start3A_46 = arith.constant 0 : i32
    %dma_start3A_47 = tpu.memref_slice %arg5[%dma_start3A_42, %dma_start3A_46] : memref<8x128xi32, #tpu.memory_space<vmem>> -> memref<1x128xi32, #tpu.memory_space<vmem>>
    %dma_start3A_48 = tpu.memref_squeeze %dma_start3A_47 : memref<1x128xi32, #tpu.memory_space<vmem>> -> memref<128xi32, #tpu.memory_space<vmem>>
    %dma_start3A_49 = arith.constant 0 : i32
    %dma_start3A_50 = arith.constant 0 : i32
    %dma_start3A_51 = tpu.memref_slice %arg4[%dma_start3A_49, %dma_start3A_50] : memref<73728x128xf32, #tpu.memory_space<hbm>> -> memref<73728x128xf32, #tpu.memory_space<hbm>>
    tpu.enqueue_indirect_dma source(%dma_start3A_45 : memref<128x128xf32, #tpu.memory_space<vmem>>) target(%dma_start3A_51 : memref<73728x128xf32, #tpu.memory_space<hbm>>) offsets(%dma_start3A_48 : memref<128xi32, #tpu.memory_space<vmem>>) semaphore(%arg7 : memref<!tpu.dma_semaphore, #tpu.memory_space<semaphore_mem>>)
    %dma_start3A_52 = arith.constant 3 : i32
    %dma_start3A_53 = arith.constant 384 : i32
    %dma_start3A_54 = arith.constant 0 : i32
    %dma_start3A_55 = tpu.memref_slice %arg6[%dma_start3A_53, %dma_start3A_54] : memref<512x128xf32, #tpu.memory_space<vmem>> -> memref<128x128xf32, #tpu.memory_space<vmem>>
    %dma_start3A_56 = arith.constant 0 : i32
    %dma_start3A_57 = tpu.memref_slice %arg5[%dma_start3A_52, %dma_start3A_56] : memref<8x128xi32, #tpu.memory_space<vmem>> -> memref<1x128xi32, #tpu.memory_space<vmem>>
    %dma_start3A_58 = tpu.memref_squeeze %dma_start3A_57 : memref<1x128xi32, #tpu.memory_space<vmem>> -> memref<128xi32, #tpu.memory_space<vmem>>
    %dma_start3A_59 = arith.constant 0 : i32
    %dma_start3A_60 = arith.constant 0 : i32
    %dma_start3A_61 = tpu.memref_slice %arg4[%dma_start3A_59, %dma_start3A_60] : memref<73728x128xf32, #tpu.memory_space<hbm>> -> memref<73728x128xf32, #tpu.memory_space<hbm>>
    tpu.enqueue_indirect_dma source(%dma_start3A_55 : memref<128x128xf32, #tpu.memory_space<vmem>>) target(%dma_start3A_61 : memref<73728x128xf32, #tpu.memory_space<hbm>>) offsets(%dma_start3A_58 : memref<128xi32, #tpu.memory_space<vmem>>) semaphore(%arg7 : memref<!tpu.dma_semaphore, #tpu.memory_space<semaphore_mem>>)
    %dma_wait3A = arith.constant 0 : i32
    %dma_wait3A_62 = arith.constant 0 : i32
    %dma_wait3A_63 = arith.constant 0 : i32
    %dma_wait3A_64 = tpu.memref_slice %arg6[%dma_wait3A_62, %dma_wait3A_63] : memref<512x128xf32, #tpu.memory_space<vmem>> -> memref<128x128xf32, #tpu.memory_space<vmem>>
    %dma_wait3A_65 = arith.constant 0 : i32
    %dma_wait3A_66 = tpu.memref_slice %arg5[%dma_wait3A, %dma_wait3A_65] : memref<8x128xi32, #tpu.memory_space<vmem>> -> memref<1x128xi32, #tpu.memory_space<vmem>>
    %dma_wait3A_67 = tpu.memref_squeeze %dma_wait3A_66 : memref<1x128xi32, #tpu.memory_space<vmem>> -> memref<128xi32, #tpu.memory_space<vmem>>
    %dma_wait3A_68 = arith.constant 0 : i32
    %dma_wait3A_69 = arith.constant 0 : i32
    %dma_wait3A_70 = tpu.memref_slice %arg4[%dma_wait3A_68, %dma_wait3A_69] : memref<73728x128xf32, #tpu.memory_space<hbm>> -> memref<73728x128xf32, #tpu.memory_space<hbm>>
    tpu.wait_indirect_dma semaphore(%arg7 : memref<!tpu.dma_semaphore, #tpu.memory_space<semaphore_mem>>) src(%dma_wait3A_64 : memref<128x128xf32, #tpu.memory_space<vmem>>) dst(%dma_wait3A_70 : memref<73728x128xf32, #tpu.memory_space<hbm>>)
    %dma_wait3A_71 = arith.constant 1 : i32
    %dma_wait3A_72 = arith.constant 128 : i32
    %dma_wait3A_73 = arith.constant 0 : i32
    %dma_wait3A_74 = tpu.memref_slice %arg6[%dma_wait3A_72, %dma_wait3A_73] : memref<512x128xf32, #tpu.memory_space<vmem>> -> memref<128x128xf32, #tpu.memory_space<vmem>>
    %dma_wait3A_75 = arith.constant 0 : i32
    %dma_wait3A_76 = tpu.memref_slice %arg5[%dma_wait3A_71, %dma_wait3A_75] : memref<8x128xi32, #tpu.memory_space<vmem>> -> memref<1x128xi32, #tpu.memory_space<vmem>>
    %dma_wait3A_77 = tpu.memref_squeeze %dma_wait3A_76 : memref<1x128xi32, #tpu.memory_space<vmem>> -> memref<128xi32, #tpu.memory_space<vmem>>
    %dma_wait3A_78 = arith.constant 0 : i32
    %dma_wait3A_79 = arith.constant 0 : i32
    %dma_wait3A_80 = tpu.memref_slice %arg4[%dma_wait3A_78, %dma_wait3A_79] : memref<73728x128xf32, #tpu.memory_space<hbm>> -> memref<73728x128xf32, #tpu.memory_space<hbm>>
    tpu.wait_indirect_dma semaphore(%arg7 : memref<!tpu.dma_semaphore, #tpu.memory_space<semaphore_mem>>) src(%dma_wait3A_74 : memref<128x128xf32, #tpu.memory_space<vmem>>) dst(%dma_wait3A_80 : memref<73728x128xf32, #tpu.memory_space<hbm>>)
    %dma_wait3A_81 = arith.constant 2 : i32
    %dma_wait3A_82 = arith.constant 256 : i32
    %dma_wait3A_83 = arith.constant 0 : i32
    %dma_wait3A_84 = tpu.memref_slice %arg6[%dma_wait3A_82, %dma_wait3A_83] : memref<512x128xf32, #tpu.memory_space<vmem>> -> memref<128x128xf32, #tpu.memory_space<vmem>>
    %dma_wait3A_85 = arith.constant 0 : i32
    %dma_wait3A_86 = tpu.memref_slice %arg5[%dma_wait3A_81, %dma_wait3A_85] : memref<8x128xi32, #tpu.memory_space<vmem>> -> memref<1x128xi32, #tpu.memory_space<vmem>>
    %dma_wait3A_87 = tpu.memref_squeeze %dma_wait3A_86 : memref<1x128xi32, #tpu.memory_space<vmem>> -> memref<128xi32, #tpu.memory_space<vmem>>
    %dma_wait3A_88 = arith.constant 0 : i32
    %dma_wait3A_89 = arith.constant 0 : i32
    %dma_wait3A_90 = tpu.memref_slice %arg4[%dma_wait3A_88, %dma_wait3A_89] : memref<73728x128xf32, #tpu.memory_space<hbm>> -> memref<73728x128xf32, #tpu.memory_space<hbm>>
    tpu.wait_indirect_dma semaphore(%arg7 : memref<!tpu.dma_semaphore, #tpu.memory_space<semaphore_mem>>) src(%dma_wait3A_84 : memref<128x128xf32, #tpu.memory_space<vmem>>) dst(%dma_wait3A_90 : memref<73728x128xf32, #tpu.memory_space<hbm>>)
    %dma_wait3A_91 = arith.constant 3 : i32
    %dma_wait3A_92 = arith.constant 384 : i32
    %dma_wait3A_93 = arith.constant 0 : i32
    %dma_wait3A_94 = tpu.memref_slice %arg6[%dma_wait3A_92, %dma_wait3A_93] : memref<512x128xf32, #tpu.memory_space<vmem>> -> memref<128x128xf32, #tpu.memory_space<vmem>>
    %dma_wait3A_95 = arith.constant 0 : i32
    %dma_wait3A_96 = tpu.memref_slice %arg5[%dma_wait3A_91, %dma_wait3A_95] : memref<8x128xi32, #tpu.memory_space<vmem>> -> memref<1x128xi32, #tpu.memory_space<vmem>>
    %dma_wait3A_97 = tpu.memref_squeeze %dma_wait3A_96 : memref<1x128xi32, #tpu.memory_space<vmem>> -> memref<128xi32, #tpu.memory_space<vmem>>
    %dma_wait3A_98 = arith.constant 0 : i32
    %dma_wait3A_99 = arith.constant 0 : i32
    %dma_wait3A_100 = tpu.memref_slice %arg4[%dma_wait3A_98, %dma_wait3A_99] : memref<73728x128xf32, #tpu.memory_space<hbm>> -> memref<73728x128xf32, #tpu.memory_space<hbm>>
    tpu.wait_indirect_dma semaphore(%arg7 : memref<!tpu.dma_semaphore, #tpu.memory_space<semaphore_mem>>) src(%dma_wait3A_94 : memref<128x128xf32, #tpu.memory_space<vmem>>) dst(%dma_wait3A_100 : memref<73728x128xf32, #tpu.memory_space<hbm>>)
    %add3A_101 = arith.constant 512 : i32
    %add3A_102 = arith.addi %add3A_4, %add3A_101 : i32
    "tpu.region"() ({
      %run_scoped3A = tpu.sem_alloc : memref<!tpu.dma_semaphore, #tpu.memory_space<semaphore_mem>>
      %dma_start3A_376 = arith.constant 0 : i32
      %dma_start3A_377 = tpu.memref_slice %arg2[%add3A_102, %dma_start3A_376] : memref<65536x128xf32, #tpu.memory_space<hbm>> -> memref<512x128xf32, #tpu.memory_space<hbm>>
      %dma_start3A_378 = arith.constant 0 : i32
      %dma_start3A_379 = tpu.memref_slice %arg2[%add3A_102, %dma_start3A_378] : memref<65536x128xf32, #tpu.memory_space<hbm>> -> memref<512x128xf32, #tpu.memory_space<hbm>>
      tpu.enqueue_dma source(%dma_start3A_379 : memref<512x128xf32, #tpu.memory_space<hbm>>) target(%arg6 : memref<512x128xf32, #tpu.memory_space<vmem>>) target_semaphore(%run_scoped3A : memref<!tpu.dma_semaphore, #tpu.memory_space<semaphore_mem>>)
      %dma_wait3A_380 = arith.constant 0 : i32
      %dma_wait3A_381 = tpu.memref_slice %arg2[%add3A_102, %dma_wait3A_380] : memref<65536x128xf32, #tpu.memory_space<hbm>> -> memref<512x128xf32, #tpu.memory_space<hbm>>
      %dma_wait3A_382 = arith.constant 0 : i32
      %dma_wait3A_383 = tpu.memref_slice %arg2[%add3A_102, %dma_wait3A_382] : memref<65536x128xf32, #tpu.memory_space<hbm>> -> memref<512x128xf32, #tpu.memory_space<hbm>>
      tpu.wait_dma2 semaphore(%run_scoped3A : memref<!tpu.dma_semaphore, #tpu.memory_space<semaphore_mem>>) src(%dma_wait3A_383 : memref<512x128xf32, #tpu.memory_space<hbm>>) dst(%arg6 : memref<512x128xf32, #tpu.memory_space<vmem>>)
      tpu.yield
    }) : () -> ()
    %dma_start3A_103 = arith.constant 4 : i32
    %dma_start3A_104 = arith.constant 0 : i32
    %dma_start3A_105 = arith.constant 0 : i32
    %dma_start3A_106 = tpu.memref_slice %arg6[%dma_start3A_104, %dma_start3A_105] : memref<512x128xf32, #tpu.memory_space<vmem>> -> memref<128x128xf32, #tpu.memory_space<vmem>>
    %dma_start3A_107 = arith.constant 0 : i32
    %dma_start3A_108 = tpu.memref_slice %arg5[%dma_start3A_103, %dma_start3A_107] : memref<8x128xi32, #tpu.memory_space<vmem>> -> memref<1x128xi32, #tpu.memory_space<vmem>>
    %dma_start3A_109 = tpu.memref_squeeze %dma_start3A_108 : memref<1x128xi32, #tpu.memory_space<vmem>> -> memref<128xi32, #tpu.memory_space<vmem>>
    %dma_start3A_110 = arith.constant 0 : i32
    %dma_start3A_111 = arith.constant 0 : i32
    %dma_start3A_112 = tpu.memref_slice %arg4[%dma_start3A_110, %dma_start3A_111] : memref<73728x128xf32, #tpu.memory_space<hbm>> -> memref<73728x128xf32, #tpu.memory_space<hbm>>
    tpu.enqueue_indirect_dma source(%dma_start3A_106 : memref<128x128xf32, #tpu.memory_space<vmem>>) target(%dma_start3A_112 : memref<73728x128xf32, #tpu.memory_space<hbm>>) offsets(%dma_start3A_109 : memref<128xi32, #tpu.memory_space<vmem>>) semaphore(%arg7 : memref<!tpu.dma_semaphore, #tpu.memory_space<semaphore_mem>>)
    %dma_start3A_113 = arith.constant 5 : i32
    %dma_start3A_114 = arith.constant 128 : i32
    %dma_start3A_115 = arith.constant 0 : i32
    %dma_start3A_116 = tpu.memref_slice %arg6[%dma_start3A_114, %dma_start3A_115] : memref<512x128xf32, #tpu.memory_space<vmem>> -> memref<128x128xf32, #tpu.memory_space<vmem>>
    %dma_start3A_117 = arith.constant 0 : i32
    %dma_start3A_118 = tpu.memref_slice %arg5[%dma_start3A_113, %dma_start3A_117] : memref<8x128xi32, #tpu.memory_space<vmem>> -> memref<1x128xi32, #tpu.memory_space<vmem>>
    %dma_start3A_119 = tpu.memref_squeeze %dma_start3A_118 : memref<1x128xi32, #tpu.memory_space<vmem>> -> memref<128xi32, #tpu.memory_space<vmem>>
    %dma_start3A_120 = arith.constant 0 : i32
    %dma_start3A_121 = arith.constant 0 : i32
    %dma_start3A_122 = tpu.memref_slice %arg4[%dma_start3A_120, %dma_start3A_121] : memref<73728x128xf32, #tpu.memory_space<hbm>> -> memref<73728x128xf32, #tpu.memory_space<hbm>>
    tpu.enqueue_indirect_dma source(%dma_start3A_116 : memref<128x128xf32, #tpu.memory_space<vmem>>) target(%dma_start3A_122 : memref<73728x128xf32, #tpu.memory_space<hbm>>) offsets(%dma_start3A_119 : memref<128xi32, #tpu.memory_space<vmem>>) semaphore(%arg7 : memref<!tpu.dma_semaphore, #tpu.memory_space<semaphore_mem>>)
    %dma_start3A_123 = arith.constant 6 : i32
    %dma_start3A_124 = arith.constant 256 : i32
    %dma_start3A_125 = arith.constant 0 : i32
    %dma_start3A_126 = tpu.memref_slice %arg6[%dma_start3A_124, %dma_start3A_125] : memref<512x128xf32, #tpu.memory_space<vmem>> -> memref<128x128xf32, #tpu.memory_space<vmem>>
    %dma_start3A_127 = arith.constant 0 : i32
    %dma_start3A_128 = tpu.memref_slice %arg5[%dma_start3A_123, %dma_start3A_127] : memref<8x128xi32, #tpu.memory_space<vmem>> -> memref<1x128xi32, #tpu.memory_space<vmem>>
    %dma_start3A_129 = tpu.memref_squeeze %dma_start3A_128 : memref<1x128xi32, #tpu.memory_space<vmem>> -> memref<128xi32, #tpu.memory_space<vmem>>
    %dma_start3A_130 = arith.constant 0 : i32
    %dma_start3A_131 = arith.constant 0 : i32
    %dma_start3A_132 = tpu.memref_slice %arg4[%dma_start3A_130, %dma_start3A_131] : memref<73728x128xf32, #tpu.memory_space<hbm>> -> memref<73728x128xf32, #tpu.memory_space<hbm>>
    tpu.enqueue_indirect_dma source(%dma_start3A_126 : memref<128x128xf32, #tpu.memory_space<vmem>>) target(%dma_start3A_132 : memref<73728x128xf32, #tpu.memory_space<hbm>>) offsets(%dma_start3A_129 : memref<128xi32, #tpu.memory_space<vmem>>) semaphore(%arg7 : memref<!tpu.dma_semaphore, #tpu.memory_space<semaphore_mem>>)
    %dma_start3A_133 = arith.constant 7 : i32
    %dma_start3A_134 = arith.constant 384 : i32
    %dma_start3A_135 = arith.constant 0 : i32
    %dma_start3A_136 = tpu.memref_slice %arg6[%dma_start3A_134, %dma_start3A_135] : memref<512x128xf32, #tpu.memory_space<vmem>> -> memref<128x128xf32, #tpu.memory_space<vmem>>
    %dma_start3A_137 = arith.constant 0 : i32
    %dma_start3A_138 = tpu.memref_slice %arg5[%dma_start3A_133, %dma_start3A_137] : memref<8x128xi32, #tpu.memory_space<vmem>> -> memref<1x128xi32, #tpu.memory_space<vmem>>
    %dma_start3A_139 = tpu.memref_squeeze %dma_start3A_138 : memref<1x128xi32, #tpu.memory_space<vmem>> -> memref<128xi32, #tpu.memory_space<vmem>>
    %dma_start3A_140 = arith.constant 0 : i32
    %dma_start3A_141 = arith.constant 0 : i32
    %dma_start3A_142 = tpu.memref_slice %arg4[%dma_start3A_140, %dma_start3A_141] : memref<73728x128xf32, #tpu.memory_space<hbm>> -> memref<73728x128xf32, #tpu.memory_space<hbm>>
    tpu.enqueue_indirect_dma source(%dma_start3A_136 : memref<128x128xf32, #tpu.memory_space<vmem>>) target(%dma_start3A_142 : memref<73728x128xf32, #tpu.memory_space<hbm>>) offsets(%dma_start3A_139 : memref<128xi32, #tpu.memory_space<vmem>>) semaphore(%arg7 : memref<!tpu.dma_semaphore, #tpu.memory_space<semaphore_mem>>)
    %dma_wait3A_143 = arith.constant 4 : i32
    %dma_wait3A_144 = arith.constant 0 : i32
    %dma_wait3A_145 = arith.constant 0 : i32
    %dma_wait3A_146 = tpu.memref_slice %arg6[%dma_wait3A_144, %dma_wait3A_145] : memref<512x128xf32, #tpu.memory_space<vmem>> -> memref<128x128xf32, #tpu.memory_space<vmem>>
    %dma_wait3A_147 = arith.constant 0 : i32
    %dma_wait3A_148 = tpu.memref_slice %arg5[%dma_wait3A_143, %dma_wait3A_147] : memref<8x128xi32, #tpu.memory_space<vmem>> -> memref<1x128xi32, #tpu.memory_space<vmem>>
    %dma_wait3A_149 = tpu.memref_squeeze %dma_wait3A_148 : memref<1x128xi32, #tpu.memory_space<vmem>> -> memref<128xi32, #tpu.memory_space<vmem>>
    %dma_wait3A_150 = arith.constant 0 : i32
    %dma_wait3A_151 = arith.constant 0 : i32
    %dma_wait3A_152 = tpu.memref_slice %arg4[%dma_wait3A_150, %dma_wait3A_151] : memref<73728x128xf32, #tpu.memory_space<hbm>> -> memref<73728x128xf32, #tpu.memory_space<hbm>>
    tpu.wait_indirect_dma semaphore(%arg7 : memref<!tpu.dma_semaphore, #tpu.memory_space<semaphore_mem>>) src(%dma_wait3A_146 : memref<128x128xf32, #tpu.memory_space<vmem>>) dst(%dma_wait3A_152 : memref<73728x128xf32, #tpu.memory_space<hbm>>)
    %dma_wait3A_153 = arith.constant 5 : i32
    %dma_wait3A_154 = arith.constant 128 : i32
    %dma_wait3A_155 = arith.constant 0 : i32
    %dma_wait3A_156 = tpu.memref_slice %arg6[%dma_wait3A_154, %dma_wait3A_155] : memref<512x128xf32, #tpu.memory_space<vmem>> -> memref<128x128xf32, #tpu.memory_space<vmem>>
    %dma_wait3A_157 = arith.constant 0 : i32
    %dma_wait3A_158 = tpu.memref_slice %arg5[%dma_wait3A_153, %dma_wait3A_157] : memref<8x128xi32, #tpu.memory_space<vmem>> -> memref<1x128xi32, #tpu.memory_space<vmem>>
    %dma_wait3A_159 = tpu.memref_squeeze %dma_wait3A_158 : memref<1x128xi32, #tpu.memory_space<vmem>> -> memref<128xi32, #tpu.memory_space<vmem>>
    %dma_wait3A_160 = arith.constant 0 : i32
    %dma_wait3A_161 = arith.constant 0 : i32
    %dma_wait3A_162 = tpu.memref_slice %arg4[%dma_wait3A_160, %dma_wait3A_161] : memref<73728x128xf32, #tpu.memory_space<hbm>> -> memref<73728x128xf32, #tpu.memory_space<hbm>>
    tpu.wait_indirect_dma semaphore(%arg7 : memref<!tpu.dma_semaphore, #tpu.memory_space<semaphore_mem>>) src(%dma_wait3A_156 : memref<128x128xf32, #tpu.memory_space<vmem>>) dst(%dma_wait3A_162 : memref<73728x128xf32, #tpu.memory_space<hbm>>)
    %dma_wait3A_163 = arith.constant 6 : i32
    %dma_wait3A_164 = arith.constant 256 : i32
    %dma_wait3A_165 = arith.constant 0 : i32
    %dma_wait3A_166 = tpu.memref_slice %arg6[%dma_wait3A_164, %dma_wait3A_165] : memref<512x128xf32, #tpu.memory_space<vmem>> -> memref<128x128xf32, #tpu.memory_space<vmem>>
    %dma_wait3A_167 = arith.constant 0 : i32
    %dma_wait3A_168 = tpu.memref_slice %arg5[%dma_wait3A_163, %dma_wait3A_167] : memref<8x128xi32, #tpu.memory_space<vmem>> -> memref<1x128xi32, #tpu.memory_space<vmem>>
    %dma_wait3A_169 = tpu.memref_squeeze %dma_wait3A_168 : memref<1x128xi32, #tpu.memory_space<vmem>> -> memref<128xi32, #tpu.memory_space<vmem>>
    %dma_wait3A_170 = arith.constant 0 : i32
    %dma_wait3A_171 = arith.constant 0 : i32
    %dma_wait3A_172 = tpu.memref_slice %arg4[%dma_wait3A_170, %dma_wait3A_171] : memref<73728x128xf32, #tpu.memory_space<hbm>> -> memref<73728x128xf32, #tpu.memory_space<hbm>>
    tpu.wait_indirect_dma semaphore(%arg7 : memref<!tpu.dma_semaphore, #tpu.memory_space<semaphore_mem>>) src(%dma_wait3A_166 : memref<128x128xf32, #tpu.memory_space<vmem>>) dst(%dma_wait3A_172 : memref<73728x128xf32, #tpu.memory_space<hbm>>)
    %dma_wait3A_173 = arith.constant 7 : i32
    %dma_wait3A_174 = arith.constant 384 : i32
    %dma_wait3A_175 = arith.constant 0 : i32
    %dma_wait3A_176 = tpu.memref_slice %arg6[%dma_wait3A_174, %dma_wait3A_175] : memref<512x128xf32, #tpu.memory_space<vmem>> -> memref<128x128xf32, #tpu.memory_space<vmem>>
    %dma_wait3A_177 = arith.constant 0 : i32
    %dma_wait3A_178 = tpu.memref_slice %arg5[%dma_wait3A_173, %dma_wait3A_177] : memref<8x128xi32, #tpu.memory_space<vmem>> -> memref<1x128xi32, #tpu.memory_space<vmem>>
    %dma_wait3A_179 = tpu.memref_squeeze %dma_wait3A_178 : memref<1x128xi32, #tpu.memory_space<vmem>> -> memref<128xi32, #tpu.memory_space<vmem>>
    %dma_wait3A_180 = arith.constant 0 : i32
    %dma_wait3A_181 = arith.constant 0 : i32
    %dma_wait3A_182 = tpu.memref_slice %arg4[%dma_wait3A_180, %dma_wait3A_181] : memref<73728x128xf32, #tpu.memory_space<hbm>> -> memref<73728x128xf32, #tpu.memory_space<hbm>>
    tpu.wait_indirect_dma semaphore(%arg7 : memref<!tpu.dma_semaphore, #tpu.memory_space<semaphore_mem>>) src(%dma_wait3A_176 : memref<128x128xf32, #tpu.memory_space<vmem>>) dst(%dma_wait3A_182 : memref<73728x128xf32, #tpu.memory_space<hbm>>)
    %mul3A_183 = arith.constant 2048 : i32
    %mul3A_184 = arith.muli %add3A, %mul3A_183 : i32
    %add3A_185 = arith.constant 1024 : i32
    %add3A_186 = arith.addi %mul3A_184, %add3A_185 : i32
    %jit3A_187 = arith.constant 128 : i32
    %div3A_188 = arith.divsi %add3A_186, %jit3A_187 : i32
    %sign3A_189 = arith.constant 0 : i32
    %sign3A_190 = arith.cmpi sgt, %add3A_186, %sign3A_189 : i32
    %sign3A_191 = arith.extui %sign3A_190 : i1 to i32
    %sign3A_192 = arith.constant 0 : i32
    %sign3A_193 = arith.cmpi slt, %add3A_186, %sign3A_192 : i32
    %sign3A_194 = arith.extui %sign3A_193 : i1 to i32
    %sign3A_195 = arith.subi %sign3A_191, %sign3A_194 : i32
    %sign3A_196 = arith.constant 0 : i32
    %sign3A_197 = arith.cmpi sgt, %jit3A_187, %sign3A_196 : i32
    %sign3A_198 = arith.extui %sign3A_197 : i1 to i32
    %sign3A_199 = arith.constant 0 : i32
    %sign3A_200 = arith.cmpi slt, %jit3A_187, %sign3A_199 : i32
    %sign3A_201 = arith.extui %sign3A_200 : i1 to i32
    %sign3A_202 = arith.subi %sign3A_198, %sign3A_201 : i32
    %ne3A_203 = arith.cmpi ne, %sign3A_195, %sign3A_202 : i32
    %rem3A_204 = arith.remsi %add3A_186, %jit3A_187 : i32
    %ne3A_205 = arith.constant 0 : i32
    %ne3A_206 = arith.cmpi ne, %rem3A_204, %ne3A_205 : i32
    %and3A_207 = arith.andi %ne3A_203, %ne3A_206 : i1
    %sub3A_208 = arith.constant 1 : i32
    %sub3A_209 = arith.subi %div3A_188, %sub3A_208 : i32
    %select_n3A_210 = arith.select %and3A_207, %sub3A_209, %div3A_188 : i32
    %multiple_of3A_211 = tpu.assume_multiple %select_n3A_210, 8 : i32
    "tpu.region"() ({
      %run_scoped3A = tpu.sem_alloc : memref<!tpu.dma_semaphore, #tpu.memory_space<semaphore_mem>>
      %dma_start3A_376 = arith.constant 0 : i32
      %dma_start3A_377 = tpu.memref_slice %arg3[%multiple_of3A_211, %dma_start3A_376] : memref<512x128xi32, #tpu.memory_space<hbm>> -> memref<8x128xi32, #tpu.memory_space<hbm>>
      %dma_start3A_378 = arith.constant 0 : i32
      %dma_start3A_379 = tpu.memref_slice %arg3[%multiple_of3A_211, %dma_start3A_378] : memref<512x128xi32, #tpu.memory_space<hbm>> -> memref<8x128xi32, #tpu.memory_space<hbm>>
      tpu.enqueue_dma source(%dma_start3A_379 : memref<8x128xi32, #tpu.memory_space<hbm>>) target(%arg5 : memref<8x128xi32, #tpu.memory_space<vmem>>) target_semaphore(%run_scoped3A : memref<!tpu.dma_semaphore, #tpu.memory_space<semaphore_mem>>)
      %dma_wait3A_380 = arith.constant 0 : i32
      %dma_wait3A_381 = tpu.memref_slice %arg3[%multiple_of3A_211, %dma_wait3A_380] : memref<512x128xi32, #tpu.memory_space<hbm>> -> memref<8x128xi32, #tpu.memory_space<hbm>>
      %dma_wait3A_382 = arith.constant 0 : i32
      %dma_wait3A_383 = tpu.memref_slice %arg3[%multiple_of3A_211, %dma_wait3A_382] : memref<512x128xi32, #tpu.memory_space<hbm>> -> memref<8x128xi32, #tpu.memory_space<hbm>>
      tpu.wait_dma2 semaphore(%run_scoped3A : memref<!tpu.dma_semaphore, #tpu.memory_space<semaphore_mem>>) src(%dma_wait3A_383 : memref<8x128xi32, #tpu.memory_space<hbm>>) dst(%arg5 : memref<8x128xi32, #tpu.memory_space<vmem>>)
      tpu.yield
    }) : () -> ()
    %add3A_212 = arith.constant 0 : i32
    %add3A_213 = arith.addi %add3A_186, %add3A_212 : i32
    "tpu.region"() ({
      %run_scoped3A = tpu.sem_alloc : memref<!tpu.dma_semaphore, #tpu.memory_space<semaphore_mem>>
      %dma_start3A_376 = arith.constant 0 : i32
      %dma_start3A_377 = tpu.memref_slice %arg2[%add3A_213, %dma_start3A_376] : memref<65536x128xf32, #tpu.memory_space<hbm>> -> memref<512x128xf32, #tpu.memory_space<hbm>>
      %dma_start3A_378 = arith.constant 0 : i32
      %dma_start3A_379 = tpu.memref_slice %arg2[%add3A_213, %dma_start3A_378] : memref<65536x128xf32, #tpu.memory_space<hbm>> -> memref<512x128xf32, #tpu.memory_space<hbm>>
      tpu.enqueue_dma source(%dma_start3A_379 : memref<512x128xf32, #tpu.memory_space<hbm>>) target(%arg6 : memref<512x128xf32, #tpu.memory_space<vmem>>) target_semaphore(%run_scoped3A : memref<!tpu.dma_semaphore, #tpu.memory_space<semaphore_mem>>)
      %dma_wait3A_380 = arith.constant 0 : i32
      %dma_wait3A_381 = tpu.memref_slice %arg2[%add3A_213, %dma_wait3A_380] : memref<65536x128xf32, #tpu.memory_space<hbm>> -> memref<512x128xf32, #tpu.memory_space<hbm>>
      %dma_wait3A_382 = arith.constant 0 : i32
      %dma_wait3A_383 = tpu.memref_slice %arg2[%add3A_213, %dma_wait3A_382] : memref<65536x128xf32, #tpu.memory_space<hbm>> -> memref<512x128xf32, #tpu.memory_space<hbm>>
      tpu.wait_dma2 semaphore(%run_scoped3A : memref<!tpu.dma_semaphore, #tpu.memory_space<semaphore_mem>>) src(%dma_wait3A_383 : memref<512x128xf32, #tpu.memory_space<hbm>>) dst(%arg6 : memref<512x128xf32, #tpu.memory_space<vmem>>)
      tpu.yield
    }) : () -> ()
    %dma_start3A_214 = arith.constant 0 : i32
    %dma_start3A_215 = arith.constant 0 : i32
    %dma_start3A_216 = arith.constant 0 : i32
    %dma_start3A_217 = tpu.memref_slice %arg6[%dma_start3A_215, %dma_start3A_216] : memref<512x128xf32, #tpu.memory_space<vmem>> -> memref<128x128xf32, #tpu.memory_space<vmem>>
    %dma_start3A_218 = arith.constant 0 : i32
    %dma_start3A_219 = tpu.memref_slice %arg5[%dma_start3A_214, %dma_start3A_218] : memref<8x128xi32, #tpu.memory_space<vmem>> -> memref<1x128xi32, #tpu.memory_space<vmem>>
    %dma_start3A_220 = tpu.memref_squeeze %dma_start3A_219 : memref<1x128xi32, #tpu.memory_space<vmem>> -> memref<128xi32, #tpu.memory_space<vmem>>
    %dma_start3A_221 = arith.constant 0 : i32
    %dma_start3A_222 = arith.constant 0 : i32
    %dma_start3A_223 = tpu.memref_slice %arg4[%dma_start3A_221, %dma_start3A_222] : memref<73728x128xf32, #tpu.memory_space<hbm>> -> memref<73728x128xf32, #tpu.memory_space<hbm>>
    tpu.enqueue_indirect_dma source(%dma_start3A_217 : memref<128x128xf32, #tpu.memory_space<vmem>>) target(%dma_start3A_223 : memref<73728x128xf32, #tpu.memory_space<hbm>>) offsets(%dma_start3A_220 : memref<128xi32, #tpu.memory_space<vmem>>) semaphore(%arg7 : memref<!tpu.dma_semaphore, #tpu.memory_space<semaphore_mem>>)
    %dma_start3A_224 = arith.constant 1 : i32
    %dma_start3A_225 = arith.constant 128 : i32
    %dma_start3A_226 = arith.constant 0 : i32
    %dma_start3A_227 = tpu.memref_slice %arg6[%dma_start3A_225, %dma_start3A_226] : memref<512x128xf32, #tpu.memory_space<vmem>> -> memref<128x128xf32, #tpu.memory_space<vmem>>
    %dma_start3A_228 = arith.constant 0 : i32
    %dma_start3A_229 = tpu.memref_slice %arg5[%dma_start3A_224, %dma_start3A_228] : memref<8x128xi32, #tpu.memory_space<vmem>> -> memref<1x128xi32, #tpu.memory_space<vmem>>
    %dma_start3A_230 = tpu.memref_squeeze %dma_start3A_229 : memref<1x128xi32, #tpu.memory_space<vmem>> -> memref<128xi32, #tpu.memory_space<vmem>>
    %dma_start3A_231 = arith.constant 0 : i32
    %dma_start3A_232 = arith.constant 0 : i32
    %dma_start3A_233 = tpu.memref_slice %arg4[%dma_start3A_231, %dma_start3A_232] : memref<73728x128xf32, #tpu.memory_space<hbm>> -> memref<73728x128xf32, #tpu.memory_space<hbm>>
    tpu.enqueue_indirect_dma source(%dma_start3A_227 : memref<128x128xf32, #tpu.memory_space<vmem>>) target(%dma_start3A_233 : memref<73728x128xf32, #tpu.memory_space<hbm>>) offsets(%dma_start3A_230 : memref<128xi32, #tpu.memory_space<vmem>>) semaphore(%arg7 : memref<!tpu.dma_semaphore, #tpu.memory_space<semaphore_mem>>)
    %dma_start3A_234 = arith.constant 2 : i32
    %dma_start3A_235 = arith.constant 256 : i32
    %dma_start3A_236 = arith.constant 0 : i32
    %dma_start3A_237 = tpu.memref_slice %arg6[%dma_start3A_235, %dma_start3A_236] : memref<512x128xf32, #tpu.memory_space<vmem>> -> memref<128x128xf32, #tpu.memory_space<vmem>>
    %dma_start3A_238 = arith.constant 0 : i32
    %dma_start3A_239 = tpu.memref_slice %arg5[%dma_start3A_234, %dma_start3A_238] : memref<8x128xi32, #tpu.memory_space<vmem>> -> memref<1x128xi32, #tpu.memory_space<vmem>>
    %dma_start3A_240 = tpu.memref_squeeze %dma_start3A_239 : memref<1x128xi32, #tpu.memory_space<vmem>> -> memref<128xi32, #tpu.memory_space<vmem>>
    %dma_start3A_241 = arith.constant 0 : i32
    %dma_start3A_242 = arith.constant 0 : i32
    %dma_start3A_243 = tpu.memref_slice %arg4[%dma_start3A_241, %dma_start3A_242] : memref<73728x128xf32, #tpu.memory_space<hbm>> -> memref<73728x128xf32, #tpu.memory_space<hbm>>
    tpu.enqueue_indirect_dma source(%dma_start3A_237 : memref<128x128xf32, #tpu.memory_space<vmem>>) target(%dma_start3A_243 : memref<73728x128xf32, #tpu.memory_space<hbm>>) offsets(%dma_start3A_240 : memref<128xi32, #tpu.memory_space<vmem>>) semaphore(%arg7 : memref<!tpu.dma_semaphore, #tpu.memory_space<semaphore_mem>>)
    %dma_start3A_244 = arith.constant 3 : i32
    %dma_start3A_245 = arith.constant 384 : i32
    %dma_start3A_246 = arith.constant 0 : i32
    %dma_start3A_247 = tpu.memref_slice %arg6[%dma_start3A_245, %dma_start3A_246] : memref<512x128xf32, #tpu.memory_space<vmem>> -> memref<128x128xf32, #tpu.memory_space<vmem>>
    %dma_start3A_248 = arith.constant 0 : i32
    %dma_start3A_249 = tpu.memref_slice %arg5[%dma_start3A_244, %dma_start3A_248] : memref<8x128xi32, #tpu.memory_space<vmem>> -> memref<1x128xi32, #tpu.memory_space<vmem>>
    %dma_start3A_250 = tpu.memref_squeeze %dma_start3A_249 : memref<1x128xi32, #tpu.memory_space<vmem>> -> memref<128xi32, #tpu.memory_space<vmem>>
    %dma_start3A_251 = arith.constant 0 : i32
    %dma_start3A_252 = arith.constant 0 : i32
    %dma_start3A_253 = tpu.memref_slice %arg4[%dma_start3A_251, %dma_start3A_252] : memref<73728x128xf32, #tpu.memory_space<hbm>> -> memref<73728x128xf32, #tpu.memory_space<hbm>>
    tpu.enqueue_indirect_dma source(%dma_start3A_247 : memref<128x128xf32, #tpu.memory_space<vmem>>) target(%dma_start3A_253 : memref<73728x128xf32, #tpu.memory_space<hbm>>) offsets(%dma_start3A_250 : memref<128xi32, #tpu.memory_space<vmem>>) semaphore(%arg7 : memref<!tpu.dma_semaphore, #tpu.memory_space<semaphore_mem>>)
    %dma_wait3A_254 = arith.constant 0 : i32
    %dma_wait3A_255 = arith.constant 0 : i32
    %dma_wait3A_256 = arith.constant 0 : i32
    %dma_wait3A_257 = tpu.memref_slice %arg6[%dma_wait3A_255, %dma_wait3A_256] : memref<512x128xf32, #tpu.memory_space<vmem>> -> memref<128x128xf32, #tpu.memory_space<vmem>>
    %dma_wait3A_258 = arith.constant 0 : i32
    %dma_wait3A_259 = tpu.memref_slice %arg5[%dma_wait3A_254, %dma_wait3A_258] : memref<8x128xi32, #tpu.memory_space<vmem>> -> memref<1x128xi32, #tpu.memory_space<vmem>>
    %dma_wait3A_260 = tpu.memref_squeeze %dma_wait3A_259 : memref<1x128xi32, #tpu.memory_space<vmem>> -> memref<128xi32, #tpu.memory_space<vmem>>
    %dma_wait3A_261 = arith.constant 0 : i32
    %dma_wait3A_262 = arith.constant 0 : i32
    %dma_wait3A_263 = tpu.memref_slice %arg4[%dma_wait3A_261, %dma_wait3A_262] : memref<73728x128xf32, #tpu.memory_space<hbm>> -> memref<73728x128xf32, #tpu.memory_space<hbm>>
    tpu.wait_indirect_dma semaphore(%arg7 : memref<!tpu.dma_semaphore, #tpu.memory_space<semaphore_mem>>) src(%dma_wait3A_257 : memref<128x128xf32, #tpu.memory_space<vmem>>) dst(%dma_wait3A_263 : memref<73728x128xf32, #tpu.memory_space<hbm>>)
    %dma_wait3A_264 = arith.constant 1 : i32
    %dma_wait3A_265 = arith.constant 128 : i32
    %dma_wait3A_266 = arith.constant 0 : i32
    %dma_wait3A_267 = tpu.memref_slice %arg6[%dma_wait3A_265, %dma_wait3A_266] : memref<512x128xf32, #tpu.memory_space<vmem>> -> memref<128x128xf32, #tpu.memory_space<vmem>>
    %dma_wait3A_268 = arith.constant 0 : i32
    %dma_wait3A_269 = tpu.memref_slice %arg5[%dma_wait3A_264, %dma_wait3A_268] : memref<8x128xi32, #tpu.memory_space<vmem>> -> memref<1x128xi32, #tpu.memory_space<vmem>>
    %dma_wait3A_270 = tpu.memref_squeeze %dma_wait3A_269 : memref<1x128xi32, #tpu.memory_space<vmem>> -> memref<128xi32, #tpu.memory_space<vmem>>
    %dma_wait3A_271 = arith.constant 0 : i32
    %dma_wait3A_272 = arith.constant 0 : i32
    %dma_wait3A_273 = tpu.memref_slice %arg4[%dma_wait3A_271, %dma_wait3A_272] : memref<73728x128xf32, #tpu.memory_space<hbm>> -> memref<73728x128xf32, #tpu.memory_space<hbm>>
    tpu.wait_indirect_dma semaphore(%arg7 : memref<!tpu.dma_semaphore, #tpu.memory_space<semaphore_mem>>) src(%dma_wait3A_267 : memref<128x128xf32, #tpu.memory_space<vmem>>) dst(%dma_wait3A_273 : memref<73728x128xf32, #tpu.memory_space<hbm>>)
    %dma_wait3A_274 = arith.constant 2 : i32
    %dma_wait3A_275 = arith.constant 256 : i32
    %dma_wait3A_276 = arith.constant 0 : i32
    %dma_wait3A_277 = tpu.memref_slice %arg6[%dma_wait3A_275, %dma_wait3A_276] : memref<512x128xf32, #tpu.memory_space<vmem>> -> memref<128x128xf32, #tpu.memory_space<vmem>>
    %dma_wait3A_278 = arith.constant 0 : i32
    %dma_wait3A_279 = tpu.memref_slice %arg5[%dma_wait3A_274, %dma_wait3A_278] : memref<8x128xi32, #tpu.memory_space<vmem>> -> memref<1x128xi32, #tpu.memory_space<vmem>>
    %dma_wait3A_280 = tpu.memref_squeeze %dma_wait3A_279 : memref<1x128xi32, #tpu.memory_space<vmem>> -> memref<128xi32, #tpu.memory_space<vmem>>
    %dma_wait3A_281 = arith.constant 0 : i32
    %dma_wait3A_282 = arith.constant 0 : i32
    %dma_wait3A_283 = tpu.memref_slice %arg4[%dma_wait3A_281, %dma_wait3A_282] : memref<73728x128xf32, #tpu.memory_space<hbm>> -> memref<73728x128xf32, #tpu.memory_space<hbm>>
    tpu.wait_indirect_dma semaphore(%arg7 : memref<!tpu.dma_semaphore, #tpu.memory_space<semaphore_mem>>) src(%dma_wait3A_277 : memref<128x128xf32, #tpu.memory_space<vmem>>) dst(%dma_wait3A_283 : memref<73728x128xf32, #tpu.memory_space<hbm>>)
    %dma_wait3A_284 = arith.constant 3 : i32
    %dma_wait3A_285 = arith.constant 384 : i32
    %dma_wait3A_286 = arith.constant 0 : i32
    %dma_wait3A_287 = tpu.memref_slice %arg6[%dma_wait3A_285, %dma_wait3A_286] : memref<512x128xf32, #tpu.memory_space<vmem>> -> memref<128x128xf32, #tpu.memory_space<vmem>>
    %dma_wait3A_288 = arith.constant 0 : i32
    %dma_wait3A_289 = tpu.memref_slice %arg5[%dma_wait3A_284, %dma_wait3A_288] : memref<8x128xi32, #tpu.memory_space<vmem>> -> memref<1x128xi32, #tpu.memory_space<vmem>>
    %dma_wait3A_290 = tpu.memref_squeeze %dma_wait3A_289 : memref<1x128xi32, #tpu.memory_space<vmem>> -> memref<128xi32, #tpu.memory_space<vmem>>
    %dma_wait3A_291 = arith.constant 0 : i32
    %dma_wait3A_292 = arith.constant 0 : i32
    %dma_wait3A_293 = tpu.memref_slice %arg4[%dma_wait3A_291, %dma_wait3A_292] : memref<73728x128xf32, #tpu.memory_space<hbm>> -> memref<73728x128xf32, #tpu.memory_space<hbm>>
    tpu.wait_indirect_dma semaphore(%arg7 : memref<!tpu.dma_semaphore, #tpu.memory_space<semaphore_mem>>) src(%dma_wait3A_287 : memref<128x128xf32, #tpu.memory_space<vmem>>) dst(%dma_wait3A_293 : memref<73728x128xf32, #tpu.memory_space<hbm>>)
    %add3A_294 = arith.constant 512 : i32
    %add3A_295 = arith.addi %add3A_186, %add3A_294 : i32
    "tpu.region"() ({
      %run_scoped3A = tpu.sem_alloc : memref<!tpu.dma_semaphore, #tpu.memory_space<semaphore_mem>>
      %dma_start3A_376 = arith.constant 0 : i32
      %dma_start3A_377 = tpu.memref_slice %arg2[%add3A_295, %dma_start3A_376] : memref<65536x128xf32, #tpu.memory_space<hbm>> -> memref<512x128xf32, #tpu.memory_space<hbm>>
      %dma_start3A_378 = arith.constant 0 : i32
      %dma_start3A_379 = tpu.memref_slice %arg2[%add3A_295, %dma_start3A_378] : memref<65536x128xf32, #tpu.memory_space<hbm>> -> memref<512x128xf32, #tpu.memory_space<hbm>>
      tpu.enqueue_dma source(%dma_start3A_379 : memref<512x128xf32, #tpu.memory_space<hbm>>) target(%arg6 : memref<512x128xf32, #tpu.memory_space<vmem>>) target_semaphore(%run_scoped3A : memref<!tpu.dma_semaphore, #tpu.memory_space<semaphore_mem>>)
      %dma_wait3A_380 = arith.constant 0 : i32
      %dma_wait3A_381 = tpu.memref_slice %arg2[%add3A_295, %dma_wait3A_380] : memref<65536x128xf32, #tpu.memory_space<hbm>> -> memref<512x128xf32, #tpu.memory_space<hbm>>
      %dma_wait3A_382 = arith.constant 0 : i32
      %dma_wait3A_383 = tpu.memref_slice %arg2[%add3A_295, %dma_wait3A_382] : memref<65536x128xf32, #tpu.memory_space<hbm>> -> memref<512x128xf32, #tpu.memory_space<hbm>>
      tpu.wait_dma2 semaphore(%run_scoped3A : memref<!tpu.dma_semaphore, #tpu.memory_space<semaphore_mem>>) src(%dma_wait3A_383 : memref<512x128xf32, #tpu.memory_space<hbm>>) dst(%arg6 : memref<512x128xf32, #tpu.memory_space<vmem>>)
      tpu.yield
    }) : () -> ()
    %dma_start3A_296 = arith.constant 4 : i32
    %dma_start3A_297 = arith.constant 0 : i32
    %dma_start3A_298 = arith.constant 0 : i32
    %dma_start3A_299 = tpu.memref_slice %arg6[%dma_start3A_297, %dma_start3A_298] : memref<512x128xf32, #tpu.memory_space<vmem>> -> memref<128x128xf32, #tpu.memory_space<vmem>>
    %dma_start3A_300 = arith.constant 0 : i32
    %dma_start3A_301 = tpu.memref_slice %arg5[%dma_start3A_296, %dma_start3A_300] : memref<8x128xi32, #tpu.memory_space<vmem>> -> memref<1x128xi32, #tpu.memory_space<vmem>>
    %dma_start3A_302 = tpu.memref_squeeze %dma_start3A_301 : memref<1x128xi32, #tpu.memory_space<vmem>> -> memref<128xi32, #tpu.memory_space<vmem>>
    %dma_start3A_303 = arith.constant 0 : i32
    %dma_start3A_304 = arith.constant 0 : i32
    %dma_start3A_305 = tpu.memref_slice %arg4[%dma_start3A_303, %dma_start3A_304] : memref<73728x128xf32, #tpu.memory_space<hbm>> -> memref<73728x128xf32, #tpu.memory_space<hbm>>
    tpu.enqueue_indirect_dma source(%dma_start3A_299 : memref<128x128xf32, #tpu.memory_space<vmem>>) target(%dma_start3A_305 : memref<73728x128xf32, #tpu.memory_space<hbm>>) offsets(%dma_start3A_302 : memref<128xi32, #tpu.memory_space<vmem>>) semaphore(%arg7 : memref<!tpu.dma_semaphore, #tpu.memory_space<semaphore_mem>>)
    %dma_start3A_306 = arith.constant 5 : i32
    %dma_start3A_307 = arith.constant 128 : i32
    %dma_start3A_308 = arith.constant 0 : i32
    %dma_start3A_309 = tpu.memref_slice %arg6[%dma_start3A_307, %dma_start3A_308] : memref<512x128xf32, #tpu.memory_space<vmem>> -> memref<128x128xf32, #tpu.memory_space<vmem>>
    %dma_start3A_310 = arith.constant 0 : i32
    %dma_start3A_311 = tpu.memref_slice %arg5[%dma_start3A_306, %dma_start3A_310] : memref<8x128xi32, #tpu.memory_space<vmem>> -> memref<1x128xi32, #tpu.memory_space<vmem>>
    %dma_start3A_312 = tpu.memref_squeeze %dma_start3A_311 : memref<1x128xi32, #tpu.memory_space<vmem>> -> memref<128xi32, #tpu.memory_space<vmem>>
    %dma_start3A_313 = arith.constant 0 : i32
    %dma_start3A_314 = arith.constant 0 : i32
    %dma_start3A_315 = tpu.memref_slice %arg4[%dma_start3A_313, %dma_start3A_314] : memref<73728x128xf32, #tpu.memory_space<hbm>> -> memref<73728x128xf32, #tpu.memory_space<hbm>>
    tpu.enqueue_indirect_dma source(%dma_start3A_309 : memref<128x128xf32, #tpu.memory_space<vmem>>) target(%dma_start3A_315 : memref<73728x128xf32, #tpu.memory_space<hbm>>) offsets(%dma_start3A_312 : memref<128xi32, #tpu.memory_space<vmem>>) semaphore(%arg7 : memref<!tpu.dma_semaphore, #tpu.memory_space<semaphore_mem>>)
    %dma_start3A_316 = arith.constant 6 : i32
    %dma_start3A_317 = arith.constant 256 : i32
    %dma_start3A_318 = arith.constant 0 : i32
    %dma_start3A_319 = tpu.memref_slice %arg6[%dma_start3A_317, %dma_start3A_318] : memref<512x128xf32, #tpu.memory_space<vmem>> -> memref<128x128xf32, #tpu.memory_space<vmem>>
    %dma_start3A_320 = arith.constant 0 : i32
    %dma_start3A_321 = tpu.memref_slice %arg5[%dma_start3A_316, %dma_start3A_320] : memref<8x128xi32, #tpu.memory_space<vmem>> -> memref<1x128xi32, #tpu.memory_space<vmem>>
    %dma_start3A_322 = tpu.memref_squeeze %dma_start3A_321 : memref<1x128xi32, #tpu.memory_space<vmem>> -> memref<128xi32, #tpu.memory_space<vmem>>
    %dma_start3A_323 = arith.constant 0 : i32
    %dma_start3A_324 = arith.constant 0 : i32
    %dma_start3A_325 = tpu.memref_slice %arg4[%dma_start3A_323, %dma_start3A_324] : memref<73728x128xf32, #tpu.memory_space<hbm>> -> memref<73728x128xf32, #tpu.memory_space<hbm>>
    tpu.enqueue_indirect_dma source(%dma_start3A_319 : memref<128x128xf32, #tpu.memory_space<vmem>>) target(%dma_start3A_325 : memref<73728x128xf32, #tpu.memory_space<hbm>>) offsets(%dma_start3A_322 : memref<128xi32, #tpu.memory_space<vmem>>) semaphore(%arg7 : memref<!tpu.dma_semaphore, #tpu.memory_space<semaphore_mem>>)
    %dma_start3A_326 = arith.constant 7 : i32
    %dma_start3A_327 = arith.constant 384 : i32
    %dma_start3A_328 = arith.constant 0 : i32
    %dma_start3A_329 = tpu.memref_slice %arg6[%dma_start3A_327, %dma_start3A_328] : memref<512x128xf32, #tpu.memory_space<vmem>> -> memref<128x128xf32, #tpu.memory_space<vmem>>
    %dma_start3A_330 = arith.constant 0 : i32
    %dma_start3A_331 = tpu.memref_slice %arg5[%dma_start3A_326, %dma_start3A_330] : memref<8x128xi32, #tpu.memory_space<vmem>> -> memref<1x128xi32, #tpu.memory_space<vmem>>
    %dma_start3A_332 = tpu.memref_squeeze %dma_start3A_331 : memref<1x128xi32, #tpu.memory_space<vmem>> -> memref<128xi32, #tpu.memory_space<vmem>>
    %dma_start3A_333 = arith.constant 0 : i32
    %dma_start3A_334 = arith.constant 0 : i32
    %dma_start3A_335 = tpu.memref_slice %arg4[%dma_start3A_333, %dma_start3A_334] : memref<73728x128xf32, #tpu.memory_space<hbm>> -> memref<73728x128xf32, #tpu.memory_space<hbm>>
    tpu.enqueue_indirect_dma source(%dma_start3A_329 : memref<128x128xf32, #tpu.memory_space<vmem>>) target(%dma_start3A_335 : memref<73728x128xf32, #tpu.memory_space<hbm>>) offsets(%dma_start3A_332 : memref<128xi32, #tpu.memory_space<vmem>>) semaphore(%arg7 : memref<!tpu.dma_semaphore, #tpu.memory_space<semaphore_mem>>)
    %dma_wait3A_336 = arith.constant 4 : i32
    %dma_wait3A_337 = arith.constant 0 : i32
    %dma_wait3A_338 = arith.constant 0 : i32
    %dma_wait3A_339 = tpu.memref_slice %arg6[%dma_wait3A_337, %dma_wait3A_338] : memref<512x128xf32, #tpu.memory_space<vmem>> -> memref<128x128xf32, #tpu.memory_space<vmem>>
    %dma_wait3A_340 = arith.constant 0 : i32
    %dma_wait3A_341 = tpu.memref_slice %arg5[%dma_wait3A_336, %dma_wait3A_340] : memref<8x128xi32, #tpu.memory_space<vmem>> -> memref<1x128xi32, #tpu.memory_space<vmem>>
    %dma_wait3A_342 = tpu.memref_squeeze %dma_wait3A_341 : memref<1x128xi32, #tpu.memory_space<vmem>> -> memref<128xi32, #tpu.memory_space<vmem>>
    %dma_wait3A_343 = arith.constant 0 : i32
    %dma_wait3A_344 = arith.constant 0 : i32
    %dma_wait3A_345 = tpu.memref_slice %arg4[%dma_wait3A_343, %dma_wait3A_344] : memref<73728x128xf32, #tpu.memory_space<hbm>> -> memref<73728x128xf32, #tpu.memory_space<hbm>>
    tpu.wait_indirect_dma semaphore(%arg7 : memref<!tpu.dma_semaphore, #tpu.memory_space<semaphore_mem>>) src(%dma_wait3A_339 : memref<128x128xf32, #tpu.memory_space<vmem>>) dst(%dma_wait3A_345 : memref<73728x128xf32, #tpu.memory_space<hbm>>)
    %dma_wait3A_346 = arith.constant 5 : i32
    %dma_wait3A_347 = arith.constant 128 : i32
    %dma_wait3A_348 = arith.constant 0 : i32
    %dma_wait3A_349 = tpu.memref_slice %arg6[%dma_wait3A_347, %dma_wait3A_348] : memref<512x128xf32, #tpu.memory_space<vmem>> -> memref<128x128xf32, #tpu.memory_space<vmem>>
    %dma_wait3A_350 = arith.constant 0 : i32
    %dma_wait3A_351 = tpu.memref_slice %arg5[%dma_wait3A_346, %dma_wait3A_350] : memref<8x128xi32, #tpu.memory_space<vmem>> -> memref<1x128xi32, #tpu.memory_space<vmem>>
    %dma_wait3A_352 = tpu.memref_squeeze %dma_wait3A_351 : memref<1x128xi32, #tpu.memory_space<vmem>> -> memref<128xi32, #tpu.memory_space<vmem>>
    %dma_wait3A_353 = arith.constant 0 : i32
    %dma_wait3A_354 = arith.constant 0 : i32
    %dma_wait3A_355 = tpu.memref_slice %arg4[%dma_wait3A_353, %dma_wait3A_354] : memref<73728x128xf32, #tpu.memory_space<hbm>> -> memref<73728x128xf32, #tpu.memory_space<hbm>>
    tpu.wait_indirect_dma semaphore(%arg7 : memref<!tpu.dma_semaphore, #tpu.memory_space<semaphore_mem>>) src(%dma_wait3A_349 : memref<128x128xf32, #tpu.memory_space<vmem>>) dst(%dma_wait3A_355 : memref<73728x128xf32, #tpu.memory_space<hbm>>)
    %dma_wait3A_356 = arith.constant 6 : i32
    %dma_wait3A_357 = arith.constant 256 : i32
    %dma_wait3A_358 = arith.constant 0 : i32
    %dma_wait3A_359 = tpu.memref_slice %arg6[%dma_wait3A_357, %dma_wait3A_358] : memref<512x128xf32, #tpu.memory_space<vmem>> -> memref<128x128xf32, #tpu.memory_space<vmem>>
    %dma_wait3A_360 = arith.constant 0 : i32
    %dma_wait3A_361 = tpu.memref_slice %arg5[%dma_wait3A_356, %dma_wait3A_360] : memref<8x128xi32, #tpu.memory_space<vmem>> -> memref<1x128xi32, #tpu.memory_space<vmem>>
    %dma_wait3A_362 = tpu.memref_squeeze %dma_wait3A_361 : memref<1x128xi32, #tpu.memory_space<vmem>> -> memref<128xi32, #tpu.memory_space<vmem>>
    %dma_wait3A_363 = arith.constant 0 : i32
    %dma_wait3A_364 = arith.constant 0 : i32
    %dma_wait3A_365 = tpu.memref_slice %arg4[%dma_wait3A_363, %dma_wait3A_364] : memref<73728x128xf32, #tpu.memory_space<hbm>> -> memref<73728x128xf32, #tpu.memory_space<hbm>>
    tpu.wait_indirect_dma semaphore(%arg7 : memref<!tpu.dma_semaphore, #tpu.memory_space<semaphore_mem>>) src(%dma_wait3A_359 : memref<128x128xf32, #tpu.memory_space<vmem>>) dst(%dma_wait3A_365 : memref<73728x128xf32, #tpu.memory_space<hbm>>)
    %dma_wait3A_366 = arith.constant 7 : i32
    %dma_wait3A_367 = arith.constant 384 : i32
    %dma_wait3A_368 = arith.constant 0 : i32
    %dma_wait3A_369 = tpu.memref_slice %arg6[%dma_wait3A_367, %dma_wait3A_368] : memref<512x128xf32, #tpu.memory_space<vmem>> -> memref<128x128xf32, #tpu.memory_space<vmem>>
    %dma_wait3A_370 = arith.constant 0 : i32
    %dma_wait3A_371 = tpu.memref_slice %arg5[%dma_wait3A_366, %dma_wait3A_370] : memref<8x128xi32, #tpu.memory_space<vmem>> -> memref<1x128xi32, #tpu.memory_space<vmem>>
    %dma_wait3A_372 = tpu.memref_squeeze %dma_wait3A_371 : memref<1x128xi32, #tpu.memory_space<vmem>> -> memref<128xi32, #tpu.memory_space<vmem>>
    %dma_wait3A_373 = arith.constant 0 : i32
    %dma_wait3A_374 = arith.constant 0 : i32
    %dma_wait3A_375 = tpu.memref_slice %arg4[%dma_wait3A_373, %dma_wait3A_374] : memref<73728x128xf32, #tpu.memory_space<hbm>> -> memref<73728x128xf32, #tpu.memory_space<hbm>>
    tpu.wait_indirect_dma semaphore(%arg7 : memref<!tpu.dma_semaphore, #tpu.memory_space<semaphore_mem>>) src(%dma_wait3A_369 : memref<128x128xf32, #tpu.memory_space<vmem>>) dst(%dma_wait3A_375 : memref<73728x128xf32, #tpu.memory_space<hbm>>)
    return
  }
}

module attributes {stable_mosaic.version = 14 : i64} {
  func.func @_rank_kernel(%arg0: i32, %arg1: memref<512x2xf32, #tpu.memory_space<vmem>>, %arg2: memref<512x512xf32, #tpu.memory_space<vmem>>, %arg3: memref<512x1xi32, #tpu.memory_space<vmem>>, %arg4: memref<512x1xi32, #tpu.memory_space<vmem>>, %arg5: memref<1x16xf32, #tpu.memory_space<vmem>>, %arg6: memref<1x16xf32, #tpu.memory_space<vmem>>) attributes {dimension_semantics = [#tpu.dimension_semantics<arbitrary>], iteration_bounds = array<i64: 128>, scalar_prefetch = 0 : i64, scratch_operands = 1 : i64, tpu.core_type = #tpu.core_type<tc>, window_params = [{transform_indices = @transform_0, window_bounds = array<i64: 512, 2>}, {pipeline_mode = #tpu.pipeline_mode<synchronous>, transform_indices = @transform_1, window_bounds = array<i64: 512, 512>}, {transform_indices = @transform_2, window_bounds = array<i64: 512, 1>}, {transform_indices = @transform_3, window_bounds = array<i64: 512, 1>}, {pipeline_mode = #tpu.pipeline_mode<synchronous>, transform_indices = @transform_4, window_bounds = array<i64: 1, 16>}]} {
    %eq3A = arith.constant 0 : i32
    %eq3A_0 = arith.cmpi eq, %arg0, %eq3A : i32
    %convert_element_type3A = arith.extui %eq3A_0 : i1 to i32
    %cond3A = arith.constant 0 : i32
    %cond3A_1 = arith.cmpi ne, %convert_element_type3A, %cond3A : i32
    scf.if %cond3A_1 {
      %broadcast_in_dim3A_90 = arith.constant 0.000000e+00 : f32
      %broadcast_in_dim3A_91 = vector.broadcast %broadcast_in_dim3A_90 : f32 to vector<1x16xf32>
      %swap3A_92 = arith.constant 0 : index
      %swap3A_93 = arith.constant 0 : index
      %swap3A_94 = vector.load %arg6[%swap3A_92, %swap3A_93] : memref<1x16xf32, #tpu.memory_space<vmem>>, vector<1x16xf32>
      tpu.vector_store %arg6[%swap3A_92, %swap3A_93], %broadcast_in_dim3A_91 {strides = array<i32>} : memref<1x16xf32, #tpu.memory_space<vmem>>, vector<1x16xf32>,
    } else {
    }
    %get3A = arith.constant 0 : index
    %get3A_2 = arith.constant 0 : index
    %get3A_3 = vector.load %arg1[%get3A, %get3A_2] : memref<512x2xf32, #tpu.memory_space<vmem>>, vector<512x2xf32>
    %mul3A = arith.constant 1.600000e+01 : f32
    %mul3A_4 = vector.broadcast %mul3A : f32 to vector<512x2xf32>
    %mul3A_5 = arith.mulf %get3A_3, %mul3A_4 : vector<512x2xf32>
    %slice3A = vector.extract_strided_slice %mul3A_5 {offsets = [0, 0], sizes = [512, 1], strides = [1, 1]} : vector<512x2xf32> to vector<512x1xf32>
    %floor3A = math.floor %slice3A : vector<512x1xf32>
    %convert_element_type3A_6 = arith.fptosi %floor3A : vector<512x1xf32> to vector<512x1xi32>
    %jit3A = arith.constant 4 : i32
    %eq3A_7 = arith.constant 0 : i32
    %eq3A_8 = arith.cmpi eq, %jit3A, %eq3A_7 : i32
    %jit3A_9 = arith.constant 1 : i32
    %select_n3A = arith.select %eq3A_8, %jit3A_9, %jit3A : i32
    %rem3A = vector.broadcast %select_n3A : i32 to vector<512x1xi32>
    %rem3A_10 = arith.remsi %convert_element_type3A_6, %rem3A : vector<512x1xi32>
    %ne3A = arith.constant 0 : i32
    %ne3A_11 = vector.broadcast %ne3A : i32 to vector<512x1xi32>
    %ne3A_12 = arith.cmpi ne, %rem3A_10, %ne3A_11 : vector<512x1xi32>
    %lt3A = arith.constant 0 : i32
    %lt3A_13 = vector.broadcast %lt3A : i32 to vector<512x1xi32>
    %lt3A_14 = arith.cmpi slt, %rem3A_10, %lt3A_13 : vector<512x1xi32>
    %lt3A_15 = arith.constant 0 : i32
    %lt3A_16 = arith.cmpi slt, %select_n3A, %lt3A_15 : i32
    %ne3A_17 = vector.broadcast %lt3A_16 : i1 to vector<512x1xi1>
    %ne3A_18 = vector.broadcast %ne3A_17 : vector<512x1xi1> to vector<512x1xi1>
    %ne3A_19 = arith.xori %lt3A_14, %ne3A_18 : vector<512x1xi1>
    %and3A = arith.andi %ne3A_19, %ne3A_12 : vector<512x1xi1>
    %add3A = vector.broadcast %select_n3A : i32 to vector<512x1xi32>
    %add3A_20 = arith.addi %rem3A_10, %add3A : vector<512x1xi32>
    %select_n3A_21 = arith.select %and3A, %add3A_20, %rem3A_10 : vector<512x1xi1>, vector<512x1xi32>
    %slice3A_22 = vector.extract_strided_slice %mul3A_5 {offsets = [0, 1], sizes = [512, 1], strides = [1, 1]} : vector<512x2xf32> to vector<512x1xf32>
    %floor3A_23 = math.floor %slice3A_22 : vector<512x1xf32>
    %convert_element_type3A_24 = arith.fptosi %floor3A_23 : vector<512x1xf32> to vector<512x1xi32>
    %jit3A_25 = arith.constant 4 : i32
    %eq3A_26 = arith.constant 0 : i32
    %eq3A_27 = arith.cmpi eq, %jit3A_25, %eq3A_26 : i32
    %jit3A_28 = arith.constant 1 : i32
    %select_n3A_29 = arith.select %eq3A_27, %jit3A_28, %jit3A_25 : i32
    %rem3A_30 = vector.broadcast %select_n3A_29 : i32 to vector<512x1xi32>
    %rem3A_31 = arith.remsi %convert_element_type3A_24, %rem3A_30 : vector<512x1xi32>
    %ne3A_32 = arith.constant 0 : i32
    %ne3A_33 = vector.broadcast %ne3A_32 : i32 to vector<512x1xi32>
    %ne3A_34 = arith.cmpi ne, %rem3A_31, %ne3A_33 : vector<512x1xi32>
    %lt3A_35 = arith.constant 0 : i32
    %lt3A_36 = vector.broadcast %lt3A_35 : i32 to vector<512x1xi32>
    %lt3A_37 = arith.cmpi slt, %rem3A_31, %lt3A_36 : vector<512x1xi32>
    %lt3A_38 = arith.constant 0 : i32
    %lt3A_39 = arith.cmpi slt, %select_n3A_29, %lt3A_38 : i32
    %ne3A_40 = vector.broadcast %lt3A_39 : i1 to vector<512x1xi1>
    %ne3A_41 = vector.broadcast %ne3A_40 : vector<512x1xi1> to vector<512x1xi1>
    %ne3A_42 = arith.xori %lt3A_37, %ne3A_41 : vector<512x1xi1>
    %and3A_43 = arith.andi %ne3A_42, %ne3A_34 : vector<512x1xi1>
    %add3A_44 = vector.broadcast %select_n3A_29 : i32 to vector<512x1xi32>
    %add3A_45 = arith.addi %rem3A_31, %add3A_44 : vector<512x1xi32>
    %select_n3A_46 = arith.select %and3A_43, %add3A_45, %rem3A_31 : vector<512x1xi1>, vector<512x1xi32>
    %mul3A_47 = arith.constant 4 : i32
    %mul3A_48 = vector.broadcast %mul3A_47 : i32 to vector<512x1xi32>
    %mul3A_49 = arith.muli %mul3A_48, %select_n3A_21 : vector<512x1xi32>
    %add3A_50 = arith.addi %mul3A_49, %select_n3A_46 : vector<512x1xi32>
    %iota3A = tpu.iota {dimensions = array<i32: 1>} : vector<1x16xi32>
    %eq3A_51 = vector.broadcast %add3A_50 : vector<512x1xi32> to vector<512x16xi32>
    %eq3A_52 = vector.broadcast %iota3A : vector<1x16xi32> to vector<512x16xi32>
    %eq3A_53 = arith.cmpi eq, %eq3A_51, %eq3A_52 : vector<512x16xi32>
    %jit3A_54 = arith.constant 1.000000e+00 : f32
    %jit3A_55 = arith.constant 0.000000e+00 : f32
    %broadcast_in_dim3A = vector.broadcast %jit3A_54 : f32 to vector<512x16xf32>
    %broadcast_in_dim3A_56 = vector.broadcast %jit3A_55 : f32 to vector<512x16xf32>
    %select_n3A_57 = arith.select %eq3A_53, %broadcast_in_dim3A, %broadcast_in_dim3A_56 : vector<512x16xi1>, vector<512x16xf32>
    %get3A_58 = arith.constant 0 : index
    %get3A_59 = arith.constant 0 : index
    %get3A_60 = vector.load %arg2[%get3A_58, %get3A_59] : memref<512x512xf32, #tpu.memory_space<vmem>>, vector<512x512xf32>
    %dot_general3A = arith.constant dense<0.000000e+00> : vector<512x16xf32>
    %dot_general3A_61 = tpu.matmul %get3A_60, %select_n3A_57, %dot_general3A {dimension_numbers = #tpu.dot_dimension_numbers<[1], [0], [0], [1], [0, 0, 1, 1], [], []>, transpose_lhs_hint = false} : vector<512x512xf32>, vector<512x16xf32>, vector<512x16xf32> -> vector<512x16xf32>
    %get3A_62 = arith.constant 0 : index
    %get3A_63 = arith.constant 0 : index
    %get3A_64 = vector.load %arg6[%get3A_62, %get3A_63] : memref<1x16xf32, #tpu.memory_space<vmem>>, vector<1x16xf32>
    %add3A_65 = vector.broadcast %get3A_64 : vector<1x16xf32> to vector<512x16xf32>
    %add3A_66 = arith.addf %dot_general3A_61, %add3A_65 : vector<512x16xf32>
    %eq3A_67 = vector.broadcast %add3A_50 : vector<512x1xi32> to vector<512x16xi32>
    %eq3A_68 = vector.broadcast %iota3A : vector<1x16xi32> to vector<512x16xi32>
    %eq3A_69 = arith.cmpi eq, %eq3A_67, %eq3A_68 : vector<512x16xi32>
    %jit3A_70 = arith.constant 0.000000e+00 : f32
    %broadcast_in_dim3A_71 = vector.broadcast %jit3A_70 : f32 to vector<512x16xf32>
    %select_n3A_72 = arith.select %eq3A_69, %add3A_66, %broadcast_in_dim3A_71 : vector<512x16xi1>, vector<512x16xf32>
    %reduce_sum3A = arith.constant dense<0.000000e+00> : vector<512xf32>
    %reduce_sum3A_73 = vector.multi_reduction <add>, %select_n3A_72, %reduce_sum3A [1] : vector<512x16xf32> to vector<512xf32>
    %broadcast_in_dim3A_74 = vector.shape_cast %reduce_sum3A_73 : vector<512xf32> to vector<512x1xf32>
    %swap3A = arith.constant 0 : index
    %swap3A_75 = arith.constant 0 : index
    %swap3A_76 = vector.load %arg3[%swap3A, %swap3A_75] : memref<512x1xi32, #tpu.memory_space<vmem>>, vector<512x1xi32>
    tpu.vector_store %arg3[%swap3A, %swap3A_75], %add3A_50 {strides = array<i32>} : memref<512x1xi32, #tpu.memory_space<vmem>>, vector<512x1xi32>,
    %convert_element_type3A_77 = arith.fptosi %broadcast_in_dim3A_74 : vector<512x1xf32> to vector<512x1xi32>
    %swap3A_78 = arith.constant 0 : index
    %swap3A_79 = arith.constant 0 : index
    %swap3A_80 = vector.load %arg4[%swap3A_78, %swap3A_79] : memref<512x1xi32, #tpu.memory_space<vmem>>, vector<512x1xi32>
    tpu.vector_store %arg4[%swap3A_78, %swap3A_79], %convert_element_type3A_77 {strides = array<i32>} : memref<512x1xi32, #tpu.memory_space<vmem>>, vector<512x1xi32>,
    %slice3A_81 = vector.extract_strided_slice %add3A_66 {offsets = [511, 0], sizes = [1, 16], strides = [1, 1]} : vector<512x16xf32> to vector<1x16xf32>
    %slice3A_82 = vector.extract_strided_slice %select_n3A_57 {offsets = [511, 0], sizes = [1, 16], strides = [1, 1]} : vector<512x16xf32> to vector<1x16xf32>
    %add3A_83 = arith.addf %slice3A_81, %slice3A_82 : vector<1x16xf32>
    %swap3A_84 = arith.constant 0 : index
    %swap3A_85 = arith.constant 0 : index
    %swap3A_86 = vector.load %arg6[%swap3A_84, %swap3A_85] : memref<1x16xf32, #tpu.memory_space<vmem>>, vector<1x16xf32>
    tpu.vector_store %arg6[%swap3A_84, %swap3A_85], %add3A_83 {strides = array<i32>} : memref<1x16xf32, #tpu.memory_space<vmem>>, vector<1x16xf32>,
    %swap3A_87 = arith.constant 0 : index
    %swap3A_88 = arith.constant 0 : index
    %swap3A_89 = vector.load %arg5[%swap3A_87, %swap3A_88] : memref<1x16xf32, #tpu.memory_space<vmem>>, vector<1x16xf32>
    tpu.vector_store %arg5[%swap3A_87, %swap3A_88], %add3A_83 {strides = array<i32>} : memref<1x16xf32, #tpu.memory_space<vmem>>, vector<1x16xf32>,
    return
  }
  func.func @transform_0(%arg0: i32) -> (i32, i32) {
    %c0_i32 = arith.constant 0 : i32
    %c0_i32_0 = arith.constant 0 : i32
    return %arg0, %c0_i32 : i32, i32
  }
  func.func @transform_1(%arg0: i32) -> (i32, i32) {
    %c0_i32 = arith.constant 0 : i32
    %c0_i32_0 = arith.constant 0 : i32
    %c0_i32_1 = arith.constant 0 : i32
    return %c0_i32, %c0_i32_0 : i32, i32
  }
  func.func @transform_2(%arg0: i32) -> (i32, i32) {
    %c0_i32 = arith.constant 0 : i32
    %c0_i32_0 = arith.constant 0 : i32
    return %arg0, %c0_i32 : i32, i32
  }
  func.func @transform_3(%arg0: i32) -> (i32, i32) {
    %c0_i32 = arith.constant 0 : i32
    %c0_i32_0 = arith.constant 0 : i32
    return %arg0, %c0_i32 : i32, i32
  }
  func.func @transform_4(%arg0: i32) -> (i32, i32) {
    %c0_i32 = arith.constant 0 : i32
    %c0_i32_0 = arith.constant 0 : i32
    %c0_i32_1 = arith.constant 0 : i32
    return %c0_i32, %c0_i32_0 : i32, i32
  }
}

module attributes {stable_mosaic.version = 14 : i64} {
  func.func @_pos_kernel(%arg0: i32, %arg1: memref<1x16xf32, #tpu.memory_space<vmem>>, %arg2: memref<512x1xi32, #tpu.memory_space<vmem>>, %arg3: memref<512x1xi32, #tpu.memory_space<vmem>>, %arg4: memref<512x1xi32, #tpu.memory_space<vmem>>, %arg5: memref<2x128xi32, #tpu.memory_space<vmem>>) attributes {dimension_semantics = [#tpu.dimension_semantics<arbitrary>], iteration_bounds = array<i64: 128>, scalar_prefetch = 0 : i64, scratch_operands = 0 : i64, tpu.core_type = #tpu.core_type<tc>, window_params = [{pipeline_mode = #tpu.pipeline_mode<synchronous>, transform_indices = @transform_0, window_bounds = array<i64: 1, 16>}, {transform_indices = @transform_1, window_bounds = array<i64: 512, 1>}, {transform_indices = @transform_2, window_bounds = array<i64: 512, 1>}, {transform_indices = @transform_3, window_bounds = array<i64: 512, 1>}, {pipeline_mode = #tpu.pipeline_mode<synchronous>, transform_indices = @transform_4, window_bounds = array<i64: 2, 128>}]} {
    %get3A = arith.constant 0 : index
    %get3A_0 = arith.constant 0 : index
    %get3A_1 = vector.load %arg1[%get3A, %get3A_0] : memref<1x16xf32, #tpu.memory_space<vmem>>, vector<1x16xf32>
    %add3A = arith.constant 5.110000e+02 : f32
    %add3A_2 = vector.broadcast %add3A : f32 to vector<1x16xf32>
    %add3A_3 = arith.addf %get3A_1, %add3A_2 : vector<1x16xf32>
    %div3A = arith.constant 5.120000e+02 : f32
    %div3A_4 = vector.broadcast %div3A : f32 to vector<1x16xf32>
    %div3A_5 = arith.divf %add3A_3, %div3A_4 : vector<1x16xf32>
    %floor3A = math.floor %div3A_5 : vector<1x16xf32>
    %iota3A = tpu.iota {dimensions = array<i32: 0>} : vector<16x16xi32>
    %iota3A_6 = tpu.iota {dimensions = array<i32: 1>} : vector<16x16xi32>
    %le3A = arith.cmpi sle, %iota3A, %iota3A_6 : vector<16x16xi32>
    %jit3A = arith.constant 1.000000e+00 : f32
    %jit3A_7 = arith.constant 0.000000e+00 : f32
    %broadcast_in_dim3A = vector.broadcast %jit3A : f32 to vector<16x16xf32>
    %broadcast_in_dim3A_8 = vector.broadcast %jit3A_7 : f32 to vector<16x16xf32>
    %select_n3A = arith.select %le3A, %broadcast_in_dim3A, %broadcast_in_dim3A_8 : vector<16x16xi1>, vector<16x16xf32>
    %dot_general3A = arith.constant dense<0.000000e+00> : vector<1x16xf32>
    %dot_general3A_9 = tpu.matmul %floor3A, %select_n3A, %dot_general3A {dimension_numbers = #tpu.dot_dimension_numbers<[1], [0], [0], [1], [0, 0, 1, 1], [], []>, transpose_lhs_hint = false} : vector<1x16xf32>, vector<16x16xf32>, vector<1x16xf32> -> vector<1x16xf32>
    %sub3A = arith.subf %dot_general3A_9, %floor3A : vector<1x16xf32>
    %mul3A = arith.constant 5.120000e+02 : f32
    %mul3A_10 = vector.broadcast %mul3A : f32 to vector<1x16xf32>
    %mul3A_11 = arith.mulf %mul3A_10, %sub3A : vector<1x16xf32>
    %get3A_12 = arith.constant 0 : index
    %get3A_13 = arith.constant 0 : index
    %get3A_14 = vector.load %arg2[%get3A_12, %get3A_13] : memref<512x1xi32, #tpu.memory_space<vmem>>, vector<512x1xi32>
    %iota3A_15 = tpu.iota {dimensions = array<i32: 1>} : vector<1x16xi32>
    %eq3A = vector.broadcast %get3A_14 : vector<512x1xi32> to vector<512x16xi32>
    %eq3A_16 = vector.broadcast %iota3A_15 : vector<1x16xi32> to vector<512x16xi32>
    %eq3A_17 = arith.cmpi eq, %eq3A, %eq3A_16 : vector<512x16xi32>
    %jit3A_18 = arith.constant 0.000000e+00 : f32
    %broadcast_in_dim3A_19 = vector.shape_cast %mul3A_11 : vector<1x16xf32> to vector<1x16xf32>
    %broadcast_in_dim3A_20 = vector.broadcast %broadcast_in_dim3A_19 : vector<1x16xf32> to vector<512x16xf32>
    %broadcast_in_dim3A_21 = vector.broadcast %jit3A_18 : f32 to vector<512x16xf32>
    %select_n3A_22 = arith.select %eq3A_17, %broadcast_in_dim3A_20, %broadcast_in_dim3A_21 : vector<512x16xi1>, vector<512x16xf32>
    %reduce_sum3A = arith.constant dense<0.000000e+00> : vector<512xf32>
    %reduce_sum3A_23 = vector.multi_reduction <add>, %select_n3A_22, %reduce_sum3A [1] : vector<512x16xf32> to vector<512xf32>
    %broadcast_in_dim3A_24 = vector.shape_cast %reduce_sum3A_23 : vector<512xf32> to vector<512x1xf32>
    %convert_element_type3A = arith.fptosi %broadcast_in_dim3A_24 : vector<512x1xf32> to vector<512x1xi32>
    %get3A_25 = arith.constant 0 : index
    %get3A_26 = arith.constant 0 : index
    %get3A_27 = vector.load %arg3[%get3A_25, %get3A_26] : memref<512x1xi32, #tpu.memory_space<vmem>>, vector<512x1xi32>
    %add3A_28 = arith.addi %convert_element_type3A, %get3A_27 : vector<512x1xi32>
    %swap3A = arith.constant 0 : index
    %swap3A_29 = arith.constant 0 : index
    %swap3A_30 = vector.load %arg4[%swap3A, %swap3A_29] : memref<512x1xi32, #tpu.memory_space<vmem>>, vector<512x1xi32>
    tpu.vector_store %arg4[%swap3A, %swap3A_29], %add3A_28 {strides = array<i32>} : memref<512x1xi32, #tpu.memory_space<vmem>>, vector<512x1xi32>,
    %iota3A_31 = tpu.iota {dimensions = array<i32: 0>} : vector<2x128xi32>
    %iota3A_32 = tpu.iota {dimensions = array<i32: 1>} : vector<2x128xi32>
    %mul3A_33 = arith.constant 128 : i32
    %mul3A_34 = vector.broadcast %mul3A_33 : i32 to vector<2x128xi32>
    %mul3A_35 = arith.muli %mul3A_34, %iota3A_31 : vector<2x128xi32>
    %add3A_36 = arith.addi %mul3A_35, %iota3A_32 : vector<2x128xi32>
    %convert_element_type3A_37 = arith.sitofp %add3A_36 : vector<2x128xi32> to vector<2x128xf32>
    %broadcast_in_dim3A_38 = arith.constant 0 : i32
    %broadcast_in_dim3A_39 = vector.broadcast %broadcast_in_dim3A_38 : i32 to vector<2x128xi32>
    %slice3A = vector.extract_strided_slice %dot_general3A_9 {offsets = [0, 0], sizes = [1, 1], strides = [1, 1]} : vector<1x16xf32> to vector<1x1xf32>
    %squeeze3A = vector.extract %slice3A[0, 0] : f32 from vector<1x1xf32>
    %ge3A = vector.broadcast %squeeze3A : f32 to vector<2x128xf32>
    %ge3A_40 = arith.cmpf oge, %convert_element_type3A_37, %ge3A : vector<2x128xf32>
    %jit3A_41 = arith.constant 1 : i32
    %jit3A_42 = arith.constant 0 : i32
    %broadcast_in_dim3A_43 = vector.broadcast %jit3A_41 : i32 to vector<2x128xi32>
    %broadcast_in_dim3A_44 = vector.broadcast %jit3A_42 : i32 to vector<2x128xi32>
    %select_n3A_45 = arith.select %ge3A_40, %broadcast_in_dim3A_43, %broadcast_in_dim3A_44 : vector<2x128xi1>, vector<2x128xi32>
    %add3A_46 = arith.addi %broadcast_in_dim3A_39, %select_n3A_45 : vector<2x128xi32>
    %slice3A_47 = vector.extract_strided_slice %dot_general3A_9 {offsets = [0, 1], sizes = [1, 1], strides = [1, 1]} : vector<1x16xf32> to vector<1x1xf32>
    %squeeze3A_48 = vector.extract %slice3A_47[0, 0] : f32 from vector<1x1xf32>
    %ge3A_49 = vector.broadcast %squeeze3A_48 : f32 to vector<2x128xf32>
    %ge3A_50 = arith.cmpf oge, %convert_element_type3A_37, %ge3A_49 : vector<2x128xf32>
    %jit3A_51 = arith.constant 1 : i32
    %jit3A_52 = arith.constant 0 : i32
    %broadcast_in_dim3A_53 = vector.broadcast %jit3A_51 : i32 to vector<2x128xi32>
    %broadcast_in_dim3A_54 = vector.broadcast %jit3A_52 : i32 to vector<2x128xi32>
    %select_n3A_55 = arith.select %ge3A_50, %broadcast_in_dim3A_53, %broadcast_in_dim3A_54 : vector<2x128xi1>, vector<2x128xi32>
    %add3A_56 = arith.addi %add3A_46, %select_n3A_55 : vector<2x128xi32>
    %slice3A_57 = vector.extract_strided_slice %dot_general3A_9 {offsets = [0, 2], sizes = [1, 1], strides = [1, 1]} : vector<1x16xf32> to vector<1x1xf32>
    %squeeze3A_58 = vector.extract %slice3A_57[0, 0] : f32 from vector<1x1xf32>
    %ge3A_59 = vector.broadcast %squeeze3A_58 : f32 to vector<2x128xf32>
    %ge3A_60 = arith.cmpf oge, %convert_element_type3A_37, %ge3A_59 : vector<2x128xf32>
    %jit3A_61 = arith.constant 1 : i32
    %jit3A_62 = arith.constant 0 : i32
    %broadcast_in_dim3A_63 = vector.broadcast %jit3A_61 : i32 to vector<2x128xi32>
    %broadcast_in_dim3A_64 = vector.broadcast %jit3A_62 : i32 to vector<2x128xi32>
    %select_n3A_65 = arith.select %ge3A_60, %broadcast_in_dim3A_63, %broadcast_in_dim3A_64 : vector<2x128xi1>, vector<2x128xi32>
    %add3A_66 = arith.addi %add3A_56, %select_n3A_65 : vector<2x128xi32>
    %slice3A_67 = vector.extract_strided_slice %dot_general3A_9 {offsets = [0, 3], sizes = [1, 1], strides = [1, 1]} : vector<1x16xf32> to vector<1x1xf32>
    %squeeze3A_68 = vector.extract %slice3A_67[0, 0] : f32 from vector<1x1xf32>
    %ge3A_69 = vector.broadcast %squeeze3A_68 : f32 to vector<2x128xf32>
    %ge3A_70 = arith.cmpf oge, %convert_element_type3A_37, %ge3A_69 : vector<2x128xf32>
    %jit3A_71 = arith.constant 1 : i32
    %jit3A_72 = arith.constant 0 : i32
    %broadcast_in_dim3A_73 = vector.broadcast %jit3A_71 : i32 to vector<2x128xi32>
    %broadcast_in_dim3A_74 = vector.broadcast %jit3A_72 : i32 to vector<2x128xi32>
    %select_n3A_75 = arith.select %ge3A_70, %broadcast_in_dim3A_73, %broadcast_in_dim3A_74 : vector<2x128xi1>, vector<2x128xi32>
    %add3A_76 = arith.addi %add3A_66, %select_n3A_75 : vector<2x128xi32>
    %slice3A_77 = vector.extract_strided_slice %dot_general3A_9 {offsets = [0, 4], sizes = [1, 1], strides = [1, 1]} : vector<1x16xf32> to vector<1x1xf32>
    %squeeze3A_78 = vector.extract %slice3A_77[0, 0] : f32 from vector<1x1xf32>
    %ge3A_79 = vector.broadcast %squeeze3A_78 : f32 to vector<2x128xf32>
    %ge3A_80 = arith.cmpf oge, %convert_element_type3A_37, %ge3A_79 : vector<2x128xf32>
    %jit3A_81 = arith.constant 1 : i32
    %jit3A_82 = arith.constant 0 : i32
    %broadcast_in_dim3A_83 = vector.broadcast %jit3A_81 : i32 to vector<2x128xi32>
    %broadcast_in_dim3A_84 = vector.broadcast %jit3A_82 : i32 to vector<2x128xi32>
    %select_n3A_85 = arith.select %ge3A_80, %broadcast_in_dim3A_83, %broadcast_in_dim3A_84 : vector<2x128xi1>, vector<2x128xi32>
    %add3A_86 = arith.addi %add3A_76, %select_n3A_85 : vector<2x128xi32>
    %slice3A_87 = vector.extract_strided_slice %dot_general3A_9 {offsets = [0, 5], sizes = [1, 1], strides = [1, 1]} : vector<1x16xf32> to vector<1x1xf32>
    %squeeze3A_88 = vector.extract %slice3A_87[0, 0] : f32 from vector<1x1xf32>
    %ge3A_89 = vector.broadcast %squeeze3A_88 : f32 to vector<2x128xf32>
    %ge3A_90 = arith.cmpf oge, %convert_element_type3A_37, %ge3A_89 : vector<2x128xf32>
    %jit3A_91 = arith.constant 1 : i32
    %jit3A_92 = arith.constant 0 : i32
    %broadcast_in_dim3A_93 = vector.broadcast %jit3A_91 : i32 to vector<2x128xi32>
    %broadcast_in_dim3A_94 = vector.broadcast %jit3A_92 : i32 to vector<2x128xi32>
    %select_n3A_95 = arith.select %ge3A_90, %broadcast_in_dim3A_93, %broadcast_in_dim3A_94 : vector<2x128xi1>, vector<2x128xi32>
    %add3A_96 = arith.addi %add3A_86, %select_n3A_95 : vector<2x128xi32>
    %slice3A_97 = vector.extract_strided_slice %dot_general3A_9 {offsets = [0, 6], sizes = [1, 1], strides = [1, 1]} : vector<1x16xf32> to vector<1x1xf32>
    %squeeze3A_98 = vector.extract %slice3A_97[0, 0] : f32 from vector<1x1xf32>
    %ge3A_99 = vector.broadcast %squeeze3A_98 : f32 to vector<2x128xf32>
    %ge3A_100 = arith.cmpf oge, %convert_element_type3A_37, %ge3A_99 : vector<2x128xf32>
    %jit3A_101 = arith.constant 1 : i32
    %jit3A_102 = arith.constant 0 : i32
    %broadcast_in_dim3A_103 = vector.broadcast %jit3A_101 : i32 to vector<2x128xi32>
    %broadcast_in_dim3A_104 = vector.broadcast %jit3A_102 : i32 to vector<2x128xi32>
    %select_n3A_105 = arith.select %ge3A_100, %broadcast_in_dim3A_103, %broadcast_in_dim3A_104 : vector<2x128xi1>, vector<2x128xi32>
    %add3A_106 = arith.addi %add3A_96, %select_n3A_105 : vector<2x128xi32>
    %slice3A_107 = vector.extract_strided_slice %dot_general3A_9 {offsets = [0, 7], sizes = [1, 1], strides = [1, 1]} : vector<1x16xf32> to vector<1x1xf32>
    %squeeze3A_108 = vector.extract %slice3A_107[0, 0] : f32 from vector<1x1xf32>
    %ge3A_109 = vector.broadcast %squeeze3A_108 : f32 to vector<2x128xf32>
    %ge3A_110 = arith.cmpf oge, %convert_element_type3A_37, %ge3A_109 : vector<2x128xf32>
    %jit3A_111 = arith.constant 1 : i32
    %jit3A_112 = arith.constant 0 : i32
    %broadcast_in_dim3A_113 = vector.broadcast %jit3A_111 : i32 to vector<2x128xi32>
    %broadcast_in_dim3A_114 = vector.broadcast %jit3A_112 : i32 to vector<2x128xi32>
    %select_n3A_115 = arith.select %ge3A_110, %broadcast_in_dim3A_113, %broadcast_in_dim3A_114 : vector<2x128xi1>, vector<2x128xi32>
    %add3A_116 = arith.addi %add3A_106, %select_n3A_115 : vector<2x128xi32>
    %slice3A_117 = vector.extract_strided_slice %dot_general3A_9 {offsets = [0, 8], sizes = [1, 1], strides = [1, 1]} : vector<1x16xf32> to vector<1x1xf32>
    %squeeze3A_118 = vector.extract %slice3A_117[0, 0] : f32 from vector<1x1xf32>
    %ge3A_119 = vector.broadcast %squeeze3A_118 : f32 to vector<2x128xf32>
    %ge3A_120 = arith.cmpf oge, %convert_element_type3A_37, %ge3A_119 : vector<2x128xf32>
    %jit3A_121 = arith.constant 1 : i32
    %jit3A_122 = arith.constant 0 : i32
    %broadcast_in_dim3A_123 = vector.broadcast %jit3A_121 : i32 to vector<2x128xi32>
    %broadcast_in_dim3A_124 = vector.broadcast %jit3A_122 : i32 to vector<2x128xi32>
    %select_n3A_125 = arith.select %ge3A_120, %broadcast_in_dim3A_123, %broadcast_in_dim3A_124 : vector<2x128xi1>, vector<2x128xi32>
    %add3A_126 = arith.addi %add3A_116, %select_n3A_125 : vector<2x128xi32>
    %slice3A_127 = vector.extract_strided_slice %dot_general3A_9 {offsets = [0, 9], sizes = [1, 1], strides = [1, 1]} : vector<1x16xf32> to vector<1x1xf32>
    %squeeze3A_128 = vector.extract %slice3A_127[0, 0] : f32 from vector<1x1xf32>
    %ge3A_129 = vector.broadcast %squeeze3A_128 : f32 to vector<2x128xf32>
    %ge3A_130 = arith.cmpf oge, %convert_element_type3A_37, %ge3A_129 : vector<2x128xf32>
    %jit3A_131 = arith.constant 1 : i32
    %jit3A_132 = arith.constant 0 : i32
    %broadcast_in_dim3A_133 = vector.broadcast %jit3A_131 : i32 to vector<2x128xi32>
    %broadcast_in_dim3A_134 = vector.broadcast %jit3A_132 : i32 to vector<2x128xi32>
    %select_n3A_135 = arith.select %ge3A_130, %broadcast_in_dim3A_133, %broadcast_in_dim3A_134 : vector<2x128xi1>, vector<2x128xi32>
    %add3A_136 = arith.addi %add3A_126, %select_n3A_135 : vector<2x128xi32>
    %slice3A_137 = vector.extract_strided_slice %dot_general3A_9 {offsets = [0, 10], sizes = [1, 1], strides = [1, 1]} : vector<1x16xf32> to vector<1x1xf32>
    %squeeze3A_138 = vector.extract %slice3A_137[0, 0] : f32 from vector<1x1xf32>
    %ge3A_139 = vector.broadcast %squeeze3A_138 : f32 to vector<2x128xf32>
    %ge3A_140 = arith.cmpf oge, %convert_element_type3A_37, %ge3A_139 : vector<2x128xf32>
    %jit3A_141 = arith.constant 1 : i32
    %jit3A_142 = arith.constant 0 : i32
    %broadcast_in_dim3A_143 = vector.broadcast %jit3A_141 : i32 to vector<2x128xi32>
    %broadcast_in_dim3A_144 = vector.broadcast %jit3A_142 : i32 to vector<2x128xi32>
    %select_n3A_145 = arith.select %ge3A_140, %broadcast_in_dim3A_143, %broadcast_in_dim3A_144 : vector<2x128xi1>, vector<2x128xi32>
    %add3A_146 = arith.addi %add3A_136, %select_n3A_145 : vector<2x128xi32>
    %slice3A_147 = vector.extract_strided_slice %dot_general3A_9 {offsets = [0, 11], sizes = [1, 1], strides = [1, 1]} : vector<1x16xf32> to vector<1x1xf32>
    %squeeze3A_148 = vector.extract %slice3A_147[0, 0] : f32 from vector<1x1xf32>
    %ge3A_149 = vector.broadcast %squeeze3A_148 : f32 to vector<2x128xf32>
    %ge3A_150 = arith.cmpf oge, %convert_element_type3A_37, %ge3A_149 : vector<2x128xf32>
    %jit3A_151 = arith.constant 1 : i32
    %jit3A_152 = arith.constant 0 : i32
    %broadcast_in_dim3A_153 = vector.broadcast %jit3A_151 : i32 to vector<2x128xi32>
    %broadcast_in_dim3A_154 = vector.broadcast %jit3A_152 : i32 to vector<2x128xi32>
    %select_n3A_155 = arith.select %ge3A_150, %broadcast_in_dim3A_153, %broadcast_in_dim3A_154 : vector<2x128xi1>, vector<2x128xi32>
    %add3A_156 = arith.addi %add3A_146, %select_n3A_155 : vector<2x128xi32>
    %slice3A_157 = vector.extract_strided_slice %dot_general3A_9 {offsets = [0, 12], sizes = [1, 1], strides = [1, 1]} : vector<1x16xf32> to vector<1x1xf32>
    %squeeze3A_158 = vector.extract %slice3A_157[0, 0] : f32 from vector<1x1xf32>
    %ge3A_159 = vector.broadcast %squeeze3A_158 : f32 to vector<2x128xf32>
    %ge3A_160 = arith.cmpf oge, %convert_element_type3A_37, %ge3A_159 : vector<2x128xf32>
    %jit3A_161 = arith.constant 1 : i32
    %jit3A_162 = arith.constant 0 : i32
    %broadcast_in_dim3A_163 = vector.broadcast %jit3A_161 : i32 to vector<2x128xi32>
    %broadcast_in_dim3A_164 = vector.broadcast %jit3A_162 : i32 to vector<2x128xi32>
    %select_n3A_165 = arith.select %ge3A_160, %broadcast_in_dim3A_163, %broadcast_in_dim3A_164 : vector<2x128xi1>, vector<2x128xi32>
    %add3A_166 = arith.addi %add3A_156, %select_n3A_165 : vector<2x128xi32>
    %slice3A_167 = vector.extract_strided_slice %dot_general3A_9 {offsets = [0, 13], sizes = [1, 1], strides = [1, 1]} : vector<1x16xf32> to vector<1x1xf32>
    %squeeze3A_168 = vector.extract %slice3A_167[0, 0] : f32 from vector<1x1xf32>
    %ge3A_169 = vector.broadcast %squeeze3A_168 : f32 to vector<2x128xf32>
    %ge3A_170 = arith.cmpf oge, %convert_element_type3A_37, %ge3A_169 : vector<2x128xf32>
    %jit3A_171 = arith.constant 1 : i32
    %jit3A_172 = arith.constant 0 : i32
    %broadcast_in_dim3A_173 = vector.broadcast %jit3A_171 : i32 to vector<2x128xi32>
    %broadcast_in_dim3A_174 = vector.broadcast %jit3A_172 : i32 to vector<2x128xi32>
    %select_n3A_175 = arith.select %ge3A_170, %broadcast_in_dim3A_173, %broadcast_in_dim3A_174 : vector<2x128xi1>, vector<2x128xi32>
    %add3A_176 = arith.addi %add3A_166, %select_n3A_175 : vector<2x128xi32>
    %slice3A_177 = vector.extract_strided_slice %dot_general3A_9 {offsets = [0, 14], sizes = [1, 1], strides = [1, 1]} : vector<1x16xf32> to vector<1x1xf32>
    %squeeze3A_178 = vector.extract %slice3A_177[0, 0] : f32 from vector<1x1xf32>
    %ge3A_179 = vector.broadcast %squeeze3A_178 : f32 to vector<2x128xf32>
    %ge3A_180 = arith.cmpf oge, %convert_element_type3A_37, %ge3A_179 : vector<2x128xf32>
    %jit3A_181 = arith.constant 1 : i32
    %jit3A_182 = arith.constant 0 : i32
    %broadcast_in_dim3A_183 = vector.broadcast %jit3A_181 : i32 to vector<2x128xi32>
    %broadcast_in_dim3A_184 = vector.broadcast %jit3A_182 : i32 to vector<2x128xi32>
    %select_n3A_185 = arith.select %ge3A_180, %broadcast_in_dim3A_183, %broadcast_in_dim3A_184 : vector<2x128xi1>, vector<2x128xi32>
    %add3A_186 = arith.addi %add3A_176, %select_n3A_185 : vector<2x128xi32>
    %slice3A_187 = vector.extract_strided_slice %dot_general3A_9 {offsets = [0, 15], sizes = [1, 1], strides = [1, 1]} : vector<1x16xf32> to vector<1x1xf32>
    %squeeze3A_188 = vector.extract %slice3A_187[0, 0] : f32 from vector<1x1xf32>
    %ge3A_189 = vector.broadcast %squeeze3A_188 : f32 to vector<2x128xf32>
    %ge3A_190 = arith.cmpf oge, %convert_element_type3A_37, %ge3A_189 : vector<2x128xf32>
    %jit3A_191 = arith.constant 1 : i32
    %jit3A_192 = arith.constant 0 : i32
    %broadcast_in_dim3A_193 = vector.broadcast %jit3A_191 : i32 to vector<2x128xi32>
    %broadcast_in_dim3A_194 = vector.broadcast %jit3A_192 : i32 to vector<2x128xi32>
    %select_n3A_195 = arith.select %ge3A_190, %broadcast_in_dim3A_193, %broadcast_in_dim3A_194 : vector<2x128xi1>, vector<2x128xi32>
    %add3A_196 = arith.addi %add3A_186, %select_n3A_195 : vector<2x128xi32>
    %min3A = arith.constant 15 : i32
    %min3A_197 = vector.broadcast %min3A : i32 to vector<2x128xi32>
    %min3A_198 = arith.minsi %add3A_196, %min3A_197 : vector<2x128xi32>
    %swap3A_199 = arith.constant 0 : index
    %swap3A_200 = arith.constant 0 : index
    %swap3A_201 = vector.load %arg5[%swap3A_199, %swap3A_200] : memref<2x128xi32, #tpu.memory_space<vmem>>, vector<2x128xi32>
    tpu.vector_store %arg5[%swap3A_199, %swap3A_200], %min3A_198 {strides = array<i32>} : memref<2x128xi32, #tpu.memory_space<vmem>>, vector<2x128xi32>,
    return
  }
  func.func @transform_0(%arg0: i32) -> (i32, i32) {
    %c0_i32 = arith.constant 0 : i32
    %c0_i32_0 = arith.constant 0 : i32
    %c0_i32_1 = arith.constant 0 : i32
    return %c0_i32, %c0_i32_0 : i32, i32
  }
  func.func @transform_1(%arg0: i32) -> (i32, i32) {
    %c0_i32 = arith.constant 0 : i32
    %c0_i32_0 = arith.constant 0 : i32
    return %arg0, %c0_i32 : i32, i32
  }
  func.func @transform_2(%arg0: i32) -> (i32, i32) {
    %c0_i32 = arith.constant 0 : i32
    %c0_i32_0 = arith.constant 0 : i32
    return %arg0, %c0_i32 : i32, i32
  }
  func.func @transform_3(%arg0: i32) -> (i32, i32) {
    %c0_i32 = arith.constant 0 : i32
    %c0_i32_0 = arith.constant 0 : i32
    return %arg0, %c0_i32 : i32, i32
  }
  func.func @transform_4(%arg0: i32) -> (i32, i32) {
    %c0_i32 = arith.constant 0 : i32
    %c0_i32_0 = arith.constant 0 : i32
    %c0_i32_1 = arith.constant 0 : i32
    return %c0_i32, %c0_i32_0 : i32, i32
  }
}

module attributes {stable_mosaic.version = 14 : i64} {
  func.func @_expert_matmul_kernel(%arg0: i32, %arg1: memref<144xi32, #tpu.memory_space<smem>>, %arg2: memref<512x128xf32, #tpu.memory_space<vmem>>, %arg3: memref<1x64x64xf32, #tpu.memory_space<vmem>>, %arg4: memref<512x128xf32, #tpu.memory_space<vmem>>) attributes {dimension_semantics = [#tpu.dimension_semantics<arbitrary>], iteration_bounds = array<i64: 144>, scalar_prefetch = 1 : i64, scratch_operands = 0 : i64, tpu.core_type = #tpu.core_type<tc>, window_params = [{transform_indices = @transform_0, window_bounds = array<i64: 512, 128>}, {transform_indices = @transform_1, window_bounds = array<i64: 1, 64, 64>}, {transform_indices = @transform_2, window_bounds = array<i64: 512, 128>}]} {
    %get3A = arith.constant 0 : index
    %get3A_0 = arith.constant 0 : index
    %get3A_1 = vector.load %arg2[%get3A, %get3A_0] : memref<512x128xf32, #tpu.memory_space<vmem>>, vector<512x64xf32>
    %get3A_2 = arith.constant 0 : index
    %get3A_3 = arith.constant 0 : index
    %get3A_4 = arith.constant 0 : index
    %get3A_5 = vector.load %arg3[%get3A_2, %get3A_3, %get3A_4] : memref<1x64x64xf32, #tpu.memory_space<vmem>>, vector<1x64x64xf32>
    %get3A_6 = vector.shape_cast %get3A_5 : vector<1x64x64xf32> to vector<64x64xf32>
    %dot_general3A = arith.constant dense<0.000000e+00> : vector<512x64xf32>
    %dot_general3A_7 = tpu.matmul %get3A_1, %get3A_6, %dot_general3A {dimension_numbers = #tpu.dot_dimension_numbers<[1], [0], [0], [1], [0, 0, 1, 1], [], []>, transpose_lhs_hint = false} : vector<512x64xf32>, vector<64x64xf32>, vector<512x64xf32> -> vector<512x64xf32>
    %mul3A = arith.constant 3.000000e+01 : f32
    %mul3A_8 = vector.broadcast %mul3A : f32 to vector<512x64xf32>
    %mul3A_9 = arith.mulf %mul3A_8, %dot_general3A_7 : vector<512x64xf32>
    %mul3A_10 = arith.constant 0.318309873 : f32
    %mul3A_11 = vector.broadcast %mul3A_10 : f32 to vector<512x64xf32>
    %mul3A_12 = arith.mulf %mul3A_9, %mul3A_11 : vector<512x64xf32>
    %round3A = math.roundeven %mul3A_12 : vector<512x64xf32>
    %convert_element_type3A = arith.fptosi %round3A : vector<512x64xf32> to vector<512x64xi32>
    %mul3A_13 = arith.constant 3.140625 : f32
    %mul3A_14 = vector.broadcast %mul3A_13 : f32 to vector<512x64xf32>
    %mul3A_15 = arith.mulf %round3A, %mul3A_14 : vector<512x64xf32>
    %sub3A = arith.subf %mul3A_9, %mul3A_15 : vector<512x64xf32>
    %mul3A_16 = arith.constant 9.67653584E-4 : f32
    %mul3A_17 = vector.broadcast %mul3A_16 : f32 to vector<512x64xf32>
    %mul3A_18 = arith.mulf %round3A, %mul3A_17 : vector<512x64xf32>
    %sub3A_19 = arith.subf %sub3A, %mul3A_18 : vector<512x64xf32>
    %mul3A_20 = arith.mulf %sub3A_19, %sub3A_19 : vector<512x64xf32>
    %mul3A_21 = arith.constant 2.61290029E-6 : f32
    %mul3A_22 = vector.broadcast %mul3A_21 : f32 to vector<512x64xf32>
    %mul3A_23 = arith.mulf %mul3A_22, %mul3A_20 : vector<512x64xf32>
    %add3A = arith.constant -1.9812485E-4 : f32
    %add3A_24 = vector.broadcast %add3A : f32 to vector<512x64xf32>
    %add3A_25 = arith.addf %mul3A_23, %add3A_24 : vector<512x64xf32>
    %mul3A_26 = arith.mulf %add3A_25, %mul3A_20 : vector<512x64xf32>
    %add3A_27 = arith.constant 0.00833309721 : f32
    %add3A_28 = vector.broadcast %add3A_27 : f32 to vector<512x64xf32>
    %add3A_29 = arith.addf %mul3A_26, %add3A_28 : vector<512x64xf32>
    %mul3A_30 = arith.mulf %add3A_29, %mul3A_20 : vector<512x64xf32>
    %add3A_31 = arith.constant -0.166666597 : f32
    %add3A_32 = vector.broadcast %add3A_31 : f32 to vector<512x64xf32>
    %add3A_33 = arith.addf %mul3A_30, %add3A_32 : vector<512x64xf32>
    %mul3A_34 = arith.mulf %add3A_33, %mul3A_20 : vector<512x64xf32>
    %add3A_35 = arith.constant 1.000000e+00 : f32
    %add3A_36 = vector.broadcast %add3A_35 : f32 to vector<512x64xf32>
    %add3A_37 = arith.addf %mul3A_34, %add3A_36 : vector<512x64xf32>
    %mul3A_38 = arith.mulf %add3A_37, %sub3A_19 : vector<512x64xf32>
    %and3A = arith.constant 1 : i32
    %and3A_39 = vector.broadcast %and3A : i32 to vector<512x64xi32>
    %and3A_40 = arith.andi %convert_element_type3A, %and3A_39 : vector<512x64xi32>
    %eq3A = arith.constant 1 : i32
    %eq3A_41 = vector.broadcast %eq3A : i32 to vector<512x64xi32>
    %eq3A_42 = arith.cmpi eq, %and3A_40, %eq3A_41 : vector<512x64xi32>
    %neg3A = arith.constant 0.000000e+00 : f32
    %neg3A_43 = vector.broadcast %neg3A : f32 to vector<512x64xf32>
    %neg3A_44 = arith.subf %neg3A_43, %mul3A_38 : vector<512x64xf32>
    %select_n3A = arith.select %eq3A_42, %neg3A_44, %mul3A_38 : vector<512x64xi1>, vector<512x64xf32>
    %swap3A = arith.constant 0 : index
    %swap3A_45 = arith.constant 0 : index
    %swap3A_46 = vector.load %arg4[%swap3A, %swap3A_45] : memref<512x128xf32, #tpu.memory_space<vmem>>, vector<512x64xf32>
    tpu.vector_store %arg4[%swap3A, %swap3A_45], %select_n3A {strides = array<i32>} : memref<512x128xf32, #tpu.memory_space<vmem>>, vector<512x64xf32>,
    return
  }
  func.func @transform_0(%arg0: i32, %arg1: memref<144xi32, #tpu.memory_space<smem>>) -> (i32, i32) {
    %c0_i32 = arith.constant 0 : i32
    %c0_i32_0 = arith.constant 0 : i32
    return %arg0, %c0_i32 : i32, i32
  }
  func.func @transform_1(%arg0: i32, %arg1: memref<144xi32, #tpu.memory_space<smem>>) -> (i32, i32, i32) {
    %get3A = arith.index_cast %arg0 : i32 to index
    %get3A_0 = memref.load %arg1[%get3A] : memref<144xi32, #tpu.memory_space<smem>>
    %c0_i32 = arith.constant 0 : i32
    %c0_i32_1 = arith.constant 0 : i32
    %c0_i32_2 = arith.constant 0 : i32
    return %get3A_0, %c0_i32, %c0_i32_1 : i32, i32, i32
  }
  func.func @transform_2(%arg0: i32, %arg1: memref<144xi32, #tpu.memory_space<smem>>) -> (i32, i32) {
    %c0_i32 = arith.constant 0 : i32
    %c0_i32_0 = arith.constant 0 : i32
    return %arg0, %c0_i32 : i32, i32
  }
}

</mosaic_0001>

<sc_bundles>
// kernel: kernel.10.cloned.1.call-start
scs
__scs_entry_jumppad:
0x0: {  	(pc) =	sbr.rel $0x88, $3  }
0x1: {  	(tag) =	ssettag $0x0;
	lr =	simm.s32 $0x1  }
0x2: {  	[smem:$0x3F9E] =	sst lr;
	_ =	strace $0xD0000000  }
0x3: {  	_ = 	snop  }
0x4: {  	_ = 	snop  }
0x5: {  	_ = 	snop  }
0x6: {  	_ = 	snop  }
0x7: {  	_ = 	snop  }
__scs_overlays_trampoline_lowered:
0x8: {  	[smem:$0x3FAD] =	sst s0  }
0x9: {  	[smem:$0x3FAE] =	sst s1  }
0xa: {  	[smem:$0x3FAF] =	sst s2  }
0xb: {  	[smem:$0x3FB0] =	sst s3  }
0xc: {  	[smem:$0x3FB1] =	sst s4  }
0xd: {  	[smem:$0x3FB2] =	sst s5  }
0xe: {  	[smem:$0x3FB3] =	sst s6  }
0xf: {  	[smem:$0x3FB4] =	sst s7  }
0x10: {  	[smem:$0x3FB5] =	sst s8  }
0x11: {  	[smem:$0x3FB6] =	sst s9;
	s0 =	simm.s32 @!p0 $0x0  }
0x12: {  	s1 =	sld [smem:$0x3F9C];
	s0 =	simm.s32 @p0 $0x1  }
0x13: {  	[smem:$0x3FB7] =	sst s0;
	s0 =	simm.s32 @!p1 $0x0  }
0x14: {  	s2 =	sld [smem:$0x3F9B];
	s0 =	simm.s32 @p1 $0x1  }
0x15: {  	[smem:$0x3FB8] =	sst s0;
	s0 =	simm.s32 @!p2 $0x0  }
0x16: {  	s3 =	sld [smem:$0x3FDB];
	s0 =	simm.s32 @p2 $0x1  }
0x17: {  	s4 =	simm.s32 $0x1BF5;
	[smem:$0x3FBA] =	sst s0  }
0x18: {  	s0 =	sld [smem:$0x3F9D];
	_ =	swait.ge [sflag:s4], $0x0  }
0x19: {  	s7 =	sld [smem:$0x3F9E]  }
0x1a: {  	s8 =	sadd.s32 $0xFFFFE003, lr  }
0x1b: {  	s9 =	sadd.s32 $0xFFFFFEF7, lr;
	s5 =	simm.s32 $0xFFFFFFFF;
	p2 =	slt.u32 s8, $0xFFFFF086  }
0x1c: {  	p1 =	slt.u32 s9, $0xF7A;
	s5 =	simm.s32 @!p2 $0x0  }
0x1d: {  	s5 =	simm.s32 @p1 $0x1;
	p0 =	seq.s32 s7, s2  }
0x1e: {  	s7 =	smul.u32 @!p0 $0xF7A, s2;
	p2 =	seq.s32 @!p0 s5, $0x0  }
0x1f: {  	s9 =	smul.u32 $0xF7A, s1;
	s8 =	simm.s32 @!p0 $0x1BF5;
	p2 =	por !p2, p0  }
0x20: {  	[sflag:s8] =	ssyncset.s32 @!p0 $0xFFFFF086;
	s6 =	sadd.s32 @!p0 s3, s7;
	s7 =	simm.s32 @!p0 $0x108  }
0x21: {  	s3 =	sadd.s32 s3, s9;
	s6 =	sadd.s32 @!p0 $0x88, s6;
	s7 =	simm.s32 @p2 $0x1082  }
0x22: {  	[simem:s7], [sflag:s8] =	dma.local @!p0 [hbm:s6], $0xF7A  }
0x23: {  	s9 =	sor.u32 $0xD0000000, s2;
	s6 =	simm.s32 $0x108;
	_ =	swait.ge @!p0 [sflag:s8], $0x0  }
0x24: {  	s3 =	sadd.s32 $0x88, s3;
	s6 =	simm.s32 @!p1 $0x1082;
	[sflag:s4] =	ssyncset.s32 $0xFFFFF086  }
0x25: {  	[simem:s6], [sflag:s4] =	dma.local [hbm:s3], $0xF7A  }
0x26: {  	[smem:$0x3F9E] =	sst s1;
	(tag) =	ssettag s2;
	_ =	strace s9  }
0x27: {  	s1 =	sld [smem:$0x3FAE]  }
0x28: {  	s2 =	sld [smem:$0x3FAF]  }
0x29: {  	s4 =	sld [smem:$0x3FB1]  }
0x2a: {  	p0 =	seq.s32 s5, $0x0;
	s5 =	sld [smem:$0x3FB2]  }
0x2b: {  	s6 =	sld [smem:$0x3FB3]  }
0x2c: {  	s7 =	sld [smem:$0x3FB4]  }
0x2d: {  	s3 =	simm.s32 $0x108;
	s8 =	sld [smem:$0x3FB5]  }
0x2e: {  	s3 =	simm.s32 @!p0 $0x1082;
	s9 =	sld [smem:$0x3FB6]  }
0x2f: {  	lr =	sadd.s32 s0, s3;
	s0 =	sld [smem:$0x3FAD]  }
0x30: {  	s3 =	sld [smem:$0x3FB0]  }
0x31: {  	[smem:$0x3FB9] =	sst s10  }
0x32: {  	s10 =	sld [smem:$0x3FB7];
	_ =	sdelay $0x3  }
0x33: {  	p0 =	seq.s32 s10, $0x1;
	s10 =	sld [smem:$0x3FB9];
	_ =	sdelay $0x3  }
0x34: {  	[smem:$0x3FB9] =	sst s10  }
0x35: {  	s10 =	sld [smem:$0x3FB8];
	_ =	sdelay $0x3  }
0x36: {  	p1 =	seq.s32 s10, $0x1;
	s10 =	sld [smem:$0x3FB9];
	_ =	sdelay $0x3  }
0x37: {  	[smem:$0x3FB9] =	sst s10  }
0x38: {  	s10 =	sld [smem:$0x3FBA]  }
0x39: {  	_ = 	snop;
	(pc) =	sbr.ind lr, $3  }
0x3a: {  	_ = 	snop  }
0x3b: {  	_ = 	snop  }
0x3c: {  	p2 =	seq.s32 s10, $0x1;
	s10 =	sld [smem:$0x3FB9]  }
0x3d: {  	_ =	shalt  }
0x3e: {  	_ =	shalt  }
0x3f: {  	_ =	shalt  }
0x40: {  	_ =	shalt  }
0x41: {  	_ =	shalt  }
0x42: {  	_ =	shalt  }
0x43: {  	_ =	shalt  }
0x44: {  	_ =	shalt  }
0x45: {  	_ =	shalt  }
0x46: {  	_ =	shalt  }
0x47: {  	_ =	shalt  }
0x48: {  	_ =	shalt  }
0x49: {  	_ =	shalt  }
0x4a: {  	_ =	shalt  }
0x4b: {  	_ =	shalt  }
0x4c: {  	_ =	shalt  }
0x4d: {  	_ =	shalt  }
0x4e: {  	_ =	shalt  }
0x4f: {  	_ =	shalt  }
0x50: {  	_ =	shalt  }
0x51: {  	_ =	shalt  }
0x52: {  	_ =	shalt  }
0x53: {  	_ =	shalt  }
0x54: {  	_ =	shalt  }
0x55: {  	_ =	shalt  }
0x56: {  	_ =	shalt  }
0x57: {  	_ =	shalt  }
0x58: {  	_ =	shalt  }
0x59: {  	_ =	shalt  }
0x5a: {  	_ =	shalt  }
0x5b: {  	_ =	shalt  }
0x5c: {  	_ =	shalt  }
0x5d: {  	_ =	shalt  }
0x5e: {  	_ =	shalt  }
0x5f: {  	_ =	shalt  }
0x60: {  	_ =	shalt  }
0x61: {  	_ =	shalt  }
0x62: {  	_ =	shalt  }
0x63: {  	_ =	shalt  }
0x64: {  	_ =	shalt  }
0x65: {  	_ =	shalt  }
0x66: {  	_ =	shalt  }
0x67: {  	_ =	shalt  }
0x68: {  	_ =	shalt  }
0x69: {  	_ =	shalt  }
0x6a: {  	_ =	shalt  }
0x6b: {  	_ =	shalt  }
0x6c: {  	_ =	shalt  }
0x6d: {  	_ =	shalt  }
0x6e: {  	_ =	shalt  }
0x6f: {  	_ =	shalt  }
0x70: {  	_ =	shalt  }
0x71: {  	_ =	shalt  }
0x72: {  	_ =	shalt  }
0x73: {  	_ =	shalt  }
0x74: {  	_ =	shalt  }
0x75: {  	_ =	shalt  }
0x76: {  	_ =	shalt  }
0x77: {  	_ =	shalt  }
0x78: {  	_ =	shalt  }
0x79: {  	_ =	shalt  }
0x7a: {  	_ =	shalt  }
0x7b: {  	_ =	shalt  }
0x7c: {  	_ =	shalt  }
0x7d: {  	_ =	shalt  }
0x7e: {  	_ =	shalt  }
0x7f: {  	_ =	shalt  }
0x80: {  	_ =	shalt  }
0x81: {  	_ =	shalt  }
0x82: {  	_ =	shalt  }
0x83: {  	_ =	shalt  }
0x84: {  	_ =	shalt  }
0x85: {  	_ =	shalt  }
0x86: {  	_ =	shalt  }
0x87: {  	_ =	shalt  }
.Lfunc_end0:
.L_simem_size_0:
called_computation.1_lowered:
.L_overlay_start_0:
0x88: {  	s2 =	sld [smem:$0x3FD9]  }
0x89: {  	s3 =	sld [smem:$0x3FFE];
	_ =	sdelay $0x1  }
0x8a: {  	s1 =	srdreg.scid  }
0x8b: {  	s0 =	sand.u32 $0x1, s1  }
0x8c: {  	s17 =	sshll.u32 s0, $0xA;
	s2 =	sadd.s32 s3, s2  }
0x8d: {  	s2 =	sadd.s32 s2, s17  }
0x8e: {  	[smem:$0x3FC5] =	sst s2  }
0x8f: {  	_ = 	snop  }
0x90: {  	s2 =	sld [smem:$0x3FD0];
	(tm) =	ssettm $0x1  }
0x91: {  	s18 =	sld [smem:$0x3FFB];
	_ =	sdelay $0x3  }
0x92: {  	_ =	strace s18  }
0x93: {  	s3 =	sld [smem:$0x3FFC];
	_ =	sdelay $0x3  }
0x94: {  	_ =	strace s3  }
0x95: {  	s3 =	sld [smem:$0x3FFD];
	_ =	sdelay $0x3  }
0x96: {  	_ =	strace s3  }
0x97: {  	_ =	strace $0x8FFFFFFF  }
0x98: {  	s19 =	sld [smem:$0x3FDB];
	_ =	sdelay $0x1  }
0x99: {  	s4 =	simm.s32 $_scs_section_size  }
0x9a: {  	s5 =	simm.s32 $_size__tile_overlayer_lowered;
	s6 =	simm.s32 $_tile_overlayer_lowered  }
0x9b: {  	s22 =	simm.s32 $0x1BFF;
	s21 =	sshll.u32 s6, $0x1;
	s3 =	sadd.s32 s4, s19  }
0x9c: {  	s7 =	simm.s32 $0x0;
	s20 =	sshll.u32 s5, $0x1;
	s5 =	sadd.s32 s21, s3  }
0x9d: {  	[timem:s7], [sflag:s22] =	dma.local [hbm:s5], s20  }
0x9e: {  	_ =	swait.ge [sflag:s22], s20  }
0x9f: {  	s4 =	ssub.s32 $0x0, s20;
	[sflag:s22] =	ssyncset.done $0x0  }
0xa0: {  	[sflag:s22] =	ssyncadd.s32 s4;
	_ =	sdelay $0x1  }
0xa1: {  	s23 =	simm.s32 $0x1B8B  }
0xa2: {  	_ =	swait.ge [sflag:s23], $0x1  }
0xa3: {  	[sflag:s23] =	ssyncset.done $0x0  }
0xa4: {  	s25 =	simm.s32 $0x1B8E;
	s24 =	sld [smem:$0x3FFE];
	[sflag:s23] =	ssyncadd.s32 $0xFFFFFFFF  }
0xa5: {  	s26 =	simm.s32 $execute0_lowered;
	[smem:$0x3FD2] =	sst s25  }
0xa6: {  	s5 =	sshll.u32 s26, $0x1;
	_ =	strace $0x80000049;
	[dreg:$0x1] =	wrdreg $0xFFFFFFFF  }
0xa7: {  	s28 =	simm.s32 $_size_execute0_lowered;
	s3 =	sadd.s32 s3, s5;
	[dreg:$0x0] =	wrdreg $0x0  }
0xa8: {  	s5 =	sshll.u32 s28, $0x1;
	[dreg:$0x2] =	wrdreg s3  }
0xa9: {  	[dreg:$0x3] =	wrdreg s5  }
0xaa: {  	[dreg:$0x4] =	wrdreg $0xC0  }
0xab: {  	_ =	task [dreg:s7], $0x5FFFF  }
0xac: {  	[dreg:$0x1] =	wrdreg $0xFFFFFFFF  }
0xad: {  	[dreg:$0x0] =	wrdreg $0x60  }
0xae: {  	[dreg:$0x2] =	wrdreg s24  }
0xaf: {  	[dreg:$0x3] =	wrdreg s2  }
0xb0: {  	[dreg:$0x4] =	wrdreg $0x9  }
0xb1: {  	_ =	task.clear_ibuf [dreg:s7], $0x5FFFF;
	_ =	strace $0x90000049  }
0xb2: {  	s29 =	simm.s32 $0x9;
	_ =	strace $0x8000004B  }
0xb3: {  	_ =	swait.ge [sflag:s29], $0x1  }
0xb4: {  	[sflag:s29] =	ssyncadd.s32 $0xFFFFFFFF  }
0xb5: {  	_ =	strace $0x9000004B  }
0xb6: {  	_ =	sfence  }
0xb7: {  	s30 =	sld [smem:$0x0];
	_ =	sdelay $0x2  }
0xb8: {  	s31 =	sshll.u32 s1, $0xD;
	s1 =	sshrl.u32 s1, $0x2  }
0xb9: {  	s3 =	sand.u32 $0x4000, s31;
	s1 =	sadd.s32 s1, s30  }
0xba: {  	s0 =	sor.u32 s3, s0;
	s1 =	sshll.u32 s1, $0x11  }
0xbb: {  	s0 =	sor.u32 s1, s0  }
0xbc: {  	s0 =	sadd.s32 $0x8F2B, s0  }
0xbd: {  	[sflag:s0] =	ssyncadd.remote.s32 $0x1  }
0xbe: {  	_ =	sfence.sel $0xFFFF  }
0xbf: {  	[dreg:$0x0] =	wrdreg $0xFFFFFFFF;
	(pc) =	sbr.abs _section_cstart, $3  }
0xc0: {  	[dreg:$0x1] =	wrdreg $0xFFFFFFFF  }
0xc1: {  	_ =	task.clear_ibuf [dreg:s7], $0x2FFFF;
	_ =	strace $0x9FFFFFFF  }
0xc2: {  	(tm) =	ssettm $0x7FFFFFFF  }
0xc3: {  	_ =	shalt  }
tec
execute0_lowered:
.L_overlay_start_1:
0x0: {  	(tag) =	ssettag $0x1  }
0x1: {  	s1 =	srdreg.scid  }
0x2: {  	s14 =	rddreg [dreg:$0x0];
	s0 =	stileid.u32;
	s22 =	sand.u32 $0x1, s1  }
0x3: {  	s20 =	rddreg [dreg:$0x1];
	s3 =	sshll.u32 s0, $0xC;
	s4 =	sshll.u32 s22, $0xB  }
0x4: {  	s2 =	simm.s32 $0x0;
	s1 =	rddreg [dreg:$0x2];
	s21 =	sor.u32 s4, s3  }
0x5: {  	[smem:$0x7FF] =	sst s2;
	s3 =	sshrl.u32 s21, $0x3  }
0x6: {  	_ =	strace $0x8000004A;
	s4 =	sadd.s32 s20, s3;
	s3 =	simm.s32 $0x2  }
0x7: {  	[tilespmem:s2], [sflag:$0x2] =	stream.linear.gather [hbm4b:s4+s2], $0x400, $0x38;
	[tilespmem:$0x10400] =	vst v63  }
0x8: {  	_ =	swait.ge [sflag:s3], $0x400  }
0x9: {  	s6 =	simm.s32 $0x80;
	[sflag:s3] =	ssyncset.done $0x0  }
0xa: {  	s7 =	simm.s32 $0x400;
	s5 =	sadd.s32 $0x221A00, s14;
	[sflag:s3] =	ssyncadd.s32 $0xFFFFFC00  }
0xb: {  	[tilespmem:s7], [sflag:$0x1] =	stream.indirect.gather [hbm4b:s5+s6], $0x80, s2, s6, $0xb8;
	[tilespmem:$0x10400] =	vst v63  }
0xc: {  	s8 =	simm.s32 $0x4400  }
0xd: {  	[tilespmem:s8], [sflag:$0x1] =	stream.indirect.gather [hbm4b:s5+s6], $0x80, s6, s6, $0xb8;
	[tilespmem:$0x10400] =	vst v63  }
0xe: {  	s9 =	simm.s32 $0x100;
	s10 =	simm.s32 $0x8400  }
0xf: {  	[tilespmem:s10], [sflag:$0x1] =	stream.indirect.gather [hbm4b:s5+s6], $0x80, s9, s6, $0xb8;
	[tilespmem:$0x10400] =	vst v63  }
0x10: {  	s11 =	simm.s32 $0x180;
	s12 =	simm.s32 $0xC400;
	s13 =	simm.s32 $0x1  }
0x11: {  	[tilespmem:s12], [sflag:$0x1] =	stream.indirect.gather [hbm4b:s5+s6], $0x80, s11, s6, $0xb8;
	[tilespmem:$0x10400] =	vst v63  }
0x12: {  	_ =	swait.ge [sflag:s13], $0x4000  }
0x13: {  	[sflag:s13] =	ssyncset.done $0x0  }
0x14: {  	[sflag:s13] =	ssyncadd.s32 $0xFFFFC000  }
0x15: {  	_ =	swait.ge [sflag:s13], $0x4000  }
0x16: {  	[sflag:s13] =	ssyncset.done $0x0  }
0x17: {  	[sflag:s13] =	ssyncadd.s32 $0xFFFFC000  }
0x18: {  	_ =	swait.ge [sflag:s13], $0x4000  }
0x19: {  	[sflag:s13] =	ssyncset.done $0x0  }
0x1a: {  	[sflag:s13] =	ssyncadd.s32 $0xFFFFC000  }
0x1b: {  	_ =	swait.ge [sflag:s13], $0x4000  }
0x1c: {  	s23 =	sadd.s32 $0x1A00, s14;
	s30 =	sshll.u32 s21, $0x4;
	[sflag:s13] =	ssyncset.done $0x0  }
0x1d: {  	s14 =	sadd.s32 s23, s30;
	[sflag:s13] =	ssyncadd.s32 $0xFFFFC000  }
0x1e: {  	[hbm4b:s14+s2] =	stream.linear.scatter [tilespmem:s7], [sflag:$0x2], $0x10000, $0x38;
	[tilespmem:$0x10400] =	vst v63  }
0x1f: {  	_ =	swait.ge [sflag:s3], $0x10000  }
0x20: {  	[sflag:s3] =	ssyncset.done $0x0  }
0x21: {  	s15 =	simm.s32 $0x200;
	[sflag:s3] =	ssyncadd.s32 $0xFFFF0000  }
0x22: {  	[tilespmem:s7], [sflag:$0x1] =	stream.indirect.gather [hbm4b:s5+s6], $0x80, s15, s6, $0xb8;
	[tilespmem:$0x10400] =	vst v63  }
0x23: {  	s16 =	simm.s32 $0x280  }
0x24: {  	[tilespmem:s8], [sflag:$0x1] =	stream.indirect.gather [hbm4b:s5+s6], $0x80, s16, s6, $0xb8;
	[tilespmem:$0x10400] =	vst v63  }
0x25: {  	s17 =	simm.s32 $0x300  }
0x26: {  	[tilespmem:s10], [sflag:$0x1] =	stream.indirect.gather [hbm4b:s5+s6], $0x80, s17, s6, $0xb8;
	[tilespmem:$0x10400] =	vst v63  }
0x27: {  	s18 =	simm.s32 $0x380  }
0x28: {  	[tilespmem:s12], [sflag:$0x1] =	stream.indirect.gather [hbm4b:s5+s6], $0x80, s18, s6, $0xb8;
	[tilespmem:$0x10400] =	vst v63  }
0x29: {  	_ =	swait.ge [sflag:s13], $0x4000  }
0x2a: {  	[sflag:s13] =	ssyncset.done $0x0  }
0x2b: {  	[sflag:s13] =	ssyncadd.s32 $0xFFFFC000  }
0x2c: {  	_ =	swait.ge [sflag:s13], $0x4000  }
0x2d: {  	[sflag:s13] =	ssyncset.done $0x0  }
0x2e: {  	[sflag:s13] =	ssyncadd.s32 $0xFFFFC000  }
0x2f: {  	_ =	swait.ge [sflag:s13], $0x4000  }
0x30: {  	[sflag:s13] =	ssyncset.done $0x0  }
0x31: {  	[sflag:s13] =	ssyncadd.s32 $0xFFFFC000  }
0x32: {  	_ =	swait.ge [sflag:s13], $0x4000  }
0x33: {  	[sflag:s13] =	ssyncset.done $0x0  }
0x34: {  	s19 =	sadd.s32 $0x2000, s14;
	[sflag:s13] =	ssyncadd.s32 $0xFFFFC000  }
0x35: {  	[hbm4b:s19+s2] =	stream.linear.scatter [tilespmem:s7], [sflag:$0x2], $0x10000, $0x38;
	[tilespmem:$0x10400] =	vst v63  }
0x36: {  	s21 =	sor.u32 $0x400, s21;
	_ =	swait.ge [sflag:s3], $0x10000  }
0x37: {  	s24 =	sshrl.u32 s21, $0x3;
	[sflag:s3] =	ssyncset.done $0x0  }
0x38: {  	s20 =	sadd.s32 s20, s24;
	[sflag:s3] =	ssyncadd.s32 $0xFFFF0000  }
0x39: {  	[tilespmem:s2], [sflag:$0x2] =	stream.linear.gather [hbm4b:s20+s2], $0x400, $0x38;
	[tilespmem:$0x10400] =	vst v63  }
0x3a: {  	_ =	swait.ge [sflag:s3], $0x400  }
0x3b: {  	[sflag:s3] =	ssyncset.done $0x0  }
0x3c: {  	[sflag:s3] =	ssyncadd.s32 $0xFFFFFC00  }
0x3d: {  	[tilespmem:s7], [sflag:$0x1] =	stream.indirect.gather [hbm4b:s5+s6], $0x80, s2, s6, $0xb8;
	[tilespmem:$0x10400] =	vst v63  }
0x3e: {  	_ = 	snop  }
0x3f: {  	[tilespmem:s8], [sflag:$0x1] =	stream.indirect.gather [hbm4b:s5+s6], $0x80, s6, s6, $0xb8;
	[tilespmem:$0x10400] =	vst v63  }
0x40: {  	_ = 	snop  }
0x41: {  	[tilespmem:s10], [sflag:$0x1] =	stream.indirect.gather [hbm4b:s5+s6], $0x80, s9, s6, $0xb8;
	[tilespmem:$0x10400] =	vst v63  }
0x42: {  	_ = 	snop  }
0x43: {  	[tilespmem:s12], [sflag:$0x1] =	stream.indirect.gather [hbm4b:s5+s6], $0x80, s11, s6, $0xb8;
	[tilespmem:$0x10400] =	vst v63  }
0x44: {  	_ =	swait.ge [sflag:s13], $0x4000  }
0x45: {  	[sflag:s13] =	ssyncset.done $0x0  }
0x46: {  	[sflag:s13] =	ssyncadd.s32 $0xFFFFC000  }
0x47: {  	_ =	swait.ge [sflag:s13], $0x4000  }
0x48: {  	[sflag:s13] =	ssyncset.done $0x0  }
0x49: {  	[sflag:s13] =	ssyncadd.s32 $0xFFFFC000  }
0x4a: {  	_ =	swait.ge [sflag:s13], $0x4000  }
0x4b: {  	[sflag:s13] =	ssyncset.done $0x0  }
0x4c: {  	[sflag:s13] =	ssyncadd.s32 $0xFFFFC000  }
0x4d: {  	_ =	swait.ge [sflag:s13], $0x4000  }
0x4e: {  	s21 =	sshll.u32 s21, $0x4;
	[sflag:s13] =	ssyncset.done $0x0  }
0x4f: {  	s21 =	sadd.s32 s23, s21;
	[sflag:s13] =	ssyncadd.s32 $0xFFFFC000  }
0x50: {  	[hbm4b:s21+s2] =	stream.linear.scatter [tilespmem:s7], [sflag:$0x2], $0x10000, $0x38;
	[tilespmem:$0x10400] =	vst v63  }
0x51: {  	_ =	swait.ge [sflag:s3], $0x10000  }
0x52: {  	[sflag:s3] =	ssyncset.done $0x0  }
0x53: {  	[sflag:s3] =	ssyncadd.s32 $0xFFFF0000  }
0x54: {  	[tilespmem:s7], [sflag:$0x1] =	stream.indirect.gather [hbm4b:s5+s6], $0x80, s15, s6, $0xb8;
	[tilespmem:$0x10400] =	vst v63  }
0x55: {  	_ = 	snop  }
0x56: {  	[tilespmem:s8], [sflag:$0x1] =	stream.indirect.gather [hbm4b:s5+s6], $0x80, s16, s6, $0xb8;
	[tilespmem:$0x10400] =	vst v63  }
0x57: {  	_ = 	snop  }
0x58: {  	[tilespmem:s10], [sflag:$0x1] =	stream.indirect.gather [hbm4b:s5+s6], $0x80, s17, s6, $0xb8;
	[tilespmem:$0x10400] =	vst v63  }
0x59: {  	_ = 	snop  }
0x5a: {  	[tilespmem:s12], [sflag:$0x1] =	stream.indirect.gather [hbm4b:s5+s6], $0x80, s18, s6, $0xb8;
	[tilespmem:$0x10400] =	vst v63  }
0x5b: {  	_ =	swait.ge [sflag:s13], $0x4000  }
0x5c: {  	[sflag:s13] =	ssyncset.done $0x0  }
0x5d: {  	[sflag:s13] =	ssyncadd.s32 $0xFFFFC000  }
0x5e: {  	_ =	swait.ge [sflag:s13], $0x4000  }
0x5f: {  	[sflag:s13] =	ssyncset.done $0x0  }
0x60: {  	s22 =	ssub.s32 $0x2, s22;
	[sflag:s13] =	ssyncadd.s32 $0xFFFFC000  }
0x61: {  	s31 =	sshrl.u32 s22, $0x1;
	_ =	swait.ge [sflag:s13], $0x4000  }
0x62: {  	s23 =	ssub.s32 s22, s31;
	[sflag:s13] =	ssyncset.done $0x0  }
0x63: {  	s23 =	smax.u32 s23, $0x1;
	[sflag:s13] =	ssyncadd.s32 $0xFFFFC000  }
0x64: {  	p0 =	sne.s32 s23, $0x1;
	_ =	swait.ge [sflag:s13], $0x4000  }
.Ltmp0:
0x65: {  	[sflag:s13] =	ssyncset.done $0x0;
	(pc) =	sbr.rel @!p0 .LBB2_2-.Ltmp0, $4  }
0x66: {  	s22 =	sadd.s32 $0x6000, s14;
	[sflag:s13] =	ssyncadd.s32 $0xFFFFC000  }
0x67: {  	[hbm4b:s22+s2] =	stream.linear.scatter [tilespmem:s7], [sflag:$0x2], $0x10000, $0x38;
	[tilespmem:$0x10400] =	vst v63  }
0x68: {  	_ =	swait.ge [sflag:s3], $0x10000  }
0x69: {  	s23 =	sadd.s32 $0xFFFFFFFF, s23;
	[sflag:s3] =	ssyncset.done $0x0  }
.LBB2_1:
0x6a: {  	p0 =	sne.s32 s23, $0x1;
	s23 =	sadd.s32 $0xFFFFFFFF, s23;
	[sflag:s3] =	ssyncadd.s32 $0xFFFF0000  }
0x6b: {  	[tilespmem:s2], [sflag:$0x2] =	stream.linear.gather [hbm4b:s4+s2], $0x400, $0x38;
	[tilespmem:$0x10400] =	vst v63  }
0x6c: {  	_ =	swait.ge [sflag:s3], $0x400  }
0x6d: {  	[sflag:s3] =	ssyncset.done $0x0  }
0x6e: {  	[sflag:s3] =	ssyncadd.s32 $0xFFFFFC00  }
0x6f: {  	[tilespmem:s7], [sflag:$0x1] =	stream.indirect.gather [hbm4b:s5+s6], $0x80, s2, s6, $0xb8;
	[tilespmem:$0x10400] =	vst v63  }
0x70: {  	_ = 	snop  }
0x71: {  	[tilespmem:s8], [sflag:$0x1] =	stream.indirect.gather [hbm4b:s5+s6], $0x80, s6, s6, $0xb8;
	[tilespmem:$0x10400] =	vst v63  }
0x72: {  	_ = 	snop  }
0x73: {  	[tilespmem:s10], [sflag:$0x1] =	stream.indirect.gather [hbm4b:s5+s6], $0x80, s9, s6, $0xb8;
	[tilespmem:$0x10400] =	vst v63  }
0x74: {  	_ = 	snop  }
0x75: {  	[tilespmem:s12], [sflag:$0x1] =	stream.indirect.gather [hbm4b:s5+s6], $0x80, s11, s6, $0xb8;
	[tilespmem:$0x10400] =	vst v63  }
0x76: {  	_ =	swait.ge [sflag:s13], $0x4000  }
0x77: {  	[sflag:s13] =	ssyncset.done $0x0  }
0x78: {  	[sflag:s13] =	ssyncadd.s32 $0xFFFFC000  }
0x79: {  	_ =	swait.ge [sflag:s13], $0x4000  }
0x7a: {  	[sflag:s13] =	ssyncset.done $0x0  }
0x7b: {  	[sflag:s13] =	ssyncadd.s32 $0xFFFFC000  }
0x7c: {  	_ =	swait.ge [sflag:s13], $0x4000  }
0x7d: {  	[sflag:s13] =	ssyncset.done $0x0  }
0x7e: {  	[sflag:s13] =	ssyncadd.s32 $0xFFFFC000  }
0x7f: {  	_ =	swait.ge [sflag:s13], $0x4000  }
0x80: {  	[sflag:s13] =	ssyncset.done $0x0  }
0x81: {  	[sflag:s13] =	ssyncadd.s32 $0xFFFFC000  }
0x82: {  	[hbm4b:s14+s2] =	stream.linear.scatter [tilespmem:s7], [sflag:$0x2], $0x10000, $0x38;
	[tilespmem:$0x10400] =	vst v63  }
0x83: {  	_ =	swait.ge [sflag:s3], $0x10000  }
0x84: {  	[sflag:s3] =	ssyncset.done $0x0  }
0x85: {  	[sflag:s3] =	ssyncadd.s32 $0xFFFF0000  }
0x86: {  	[tilespmem:s7], [sflag:$0x1] =	stream.indirect.gather [hbm4b:s5+s6], $0x80, s15, s6, $0xb8;
	[tilespmem:$0x10400] =	vst v63  }
0x87: {  	_ = 	snop  }
0x88: {  	[tilespmem:s8], [sflag:$0x1] =	stream.indirect.gather [hbm4b:s5+s6], $0x80, s16, s6, $0xb8;
	[tilespmem:$0x10400] =	vst v63  }
0x89: {  	_ = 	snop  }
0x8a: {  	[tilespmem:s10], [sflag:$0x1] =	stream.indirect.gather [hbm4b:s5+s6], $0x80, s17, s6, $0xb8;
	[tilespmem:$0x10400] =	vst v63  }
0x8b: {  	_ = 	snop  }
0x8c: {  	[tilespmem:s12], [sflag:$0x1] =	stream.indirect.gather [hbm4b:s5+s6], $0x80, s18, s6, $0xb8;
	[tilespmem:$0x10400] =	vst v63  }
0x8d: {  	_ =	swait.ge [sflag:s13], $0x4000  }
0x8e: {  	[sflag:s13] =	ssyncset.done $0x0  }
0x8f: {  	[sflag:s13] =	ssyncadd.s32 $0xFFFFC000  }
0x90: {  	_ =	swait.ge [sflag:s13], $0x4000  }
0x91: {  	[sflag:s13] =	ssyncset.done $0x0  }
0x92: {  	[sflag:s13] =	ssyncadd.s32 $0xFFFFC000  }
0x93: {  	_ =	swait.ge [sflag:s13], $0x4000  }
0x94: {  	[sflag:s13] =	ssyncset.done $0x0  }
0x95: {  	[sflag:s13] =	ssyncadd.s32 $0xFFFFC000  }
0x96: {  	_ =	swait.ge [sflag:s13], $0x4000  }
0x97: {  	[sflag:s13] =	ssyncset.done $0x0  }
0x98: {  	[sflag:s13] =	ssyncadd.s32 $0xFFFFC000  }
0x99: {  	[hbm4b:s19+s2] =	stream.linear.scatter [tilespmem:s7], [sflag:$0x2], $0x10000, $0x38;
	[tilespmem:$0x10400] =	vst v63  }
0x9a: {  	_ =	swait.ge [sflag:s3], $0x10000  }
0x9b: {  	[sflag:s3] =	ssyncset.done $0x0  }
0x9c: {  	[sflag:s3] =	ssyncadd.s32 $0xFFFF0000  }
0x9d: {  	[tilespmem:s2], [sflag:$0x2] =	stream.linear.gather [hbm4b:s20+s2], $0x400, $0x38;
	[tilespmem:$0x10400] =	vst v63  }
0x9e: {  	_ =	swait.ge [sflag:s3], $0x400  }
0x9f: {  	[sflag:s3] =	ssyncset.done $0x0  }
0xa0: {  	[sflag:s3] =	ssyncadd.s32 $0xFFFFFC00  }
0xa1: {  	[tilespmem:s7], [sflag:$0x1] =	stream.indirect.gather [hbm4b:s5+s6], $0x80, s2, s6, $0xb8;
	[tilespmem:$0x10400] =	vst v63  }
0xa2: {  	_ = 	snop  }
0xa3: {  	[tilespmem:s8], [sflag:$0x1] =	stream.indirect.gather [hbm4b:s5+s6], $0x80, s6, s6, $0xb8;
	[tilespmem:$0x10400] =	vst v63  }
0xa4: {  	_ = 	snop  }
0xa5: {  	[tilespmem:s10], [sflag:$0x1] =	stream.indirect.gather [hbm4b:s5+s6], $0x80, s9, s6, $0xb8;
	[tilespmem:$0x10400] =	vst v63  }
0xa6: {  	_ = 	snop  }
0xa7: {  	[tilespmem:s12], [sflag:$0x1] =	stream.indirect.gather [hbm4b:s5+s6], $0x80, s11, s6, $0xb8;
	[tilespmem:$0x10400] =	vst v63  }
0xa8: {  	_ =	swait.ge [sflag:s13], $0x4000  }
0xa9: {  	[sflag:s13] =	ssyncset.done $0x0  }
0xaa: {  	[sflag:s13] =	ssyncadd.s32 $0xFFFFC000  }
0xab: {  	_ =	swait.ge [sflag:s13], $0x4000  }
0xac: {  	[sflag:s13] =	ssyncset.done $0x0  }
0xad: {  	[sflag:s13] =	ssyncadd.s32 $0xFFFFC000  }
0xae: {  	_ =	swait.ge [sflag:s13], $0x4000  }
0xaf: {  	[sflag:s13] =	ssyncset.done $0x0  }
0xb0: {  	[sflag:s13] =	ssyncadd.s32 $0xFFFFC000  }
0xb1: {  	_ =	swait.ge [sflag:s13], $0x4000  }
0xb2: {  	[sflag:s13] =	ssyncset.done $0x0  }
0xb3: {  	[sflag:s13] =	ssyncadd.s32 $0xFFFFC000  }
0xb4: {  	[hbm4b:s21+s2] =	stream.linear.scatter [tilespmem:s7], [sflag:$0x2], $0x10000, $0x38;
	[tilespmem:$0x10400] =	vst v63  }
0xb5: {  	_ =	swait.ge [sflag:s3], $0x10000  }
0xb6: {  	[sflag:s3] =	ssyncset.done $0x0  }
0xb7: {  	[sflag:s3] =	ssyncadd.s32 $0xFFFF0000  }
0xb8: {  	[tilespmem:s7], [sflag:$0x1] =	stream.indirect.gather [hbm4b:s5+s6], $0x80, s15, s6, $0xb8;
	[tilespmem:$0x10400] =	vst v63  }
0xb9: {  	_ = 	snop  }
0xba: {  	[tilespmem:s8], [sflag:$0x1] =	stream.indirect.gather [hbm4b:s5+s6], $0x80, s16, s6, $0xb8;
	[tilespmem:$0x10400] =	vst v63  }
0xbb: {  	_ = 	snop  }
0xbc: {  	[tilespmem:s10], [sflag:$0x1] =	stream.indirect.gather [hbm4b:s5+s6], $0x80, s17, s6, $0xb8;
	[tilespmem:$0x10400] =	vst v63  }
0xbd: {  	_ = 	snop  }
0xbe: {  	[tilespmem:s12], [sflag:$0x1] =	stream.indirect.gather [hbm4b:s5+s6], $0x80, s18, s6, $0xb8;
	[tilespmem:$0x10400] =	vst v63  }
0xbf: {  	_ =	swait.ge [sflag:s13], $0x4000  }
0xc0: {  	[sflag:s13] =	ssyncset.done $0x0  }
0xc1: {  	[sflag:s13] =	ssyncadd.s32 $0xFFFFC000  }
0xc2: {  	_ =	swait.ge [sflag:s13], $0x4000  }
0xc3: {  	[sflag:s13] =	ssyncset.done $0x0  }
0xc4: {  	[sflag:s13] =	ssyncadd.s32 $0xFFFFC000  }
0xc5: {  	_ =	swait.ge [sflag:s13], $0x4000  }
0xc6: {  	[sflag:s13] =	ssyncset.done $0x0  }
0xc7: {  	[sflag:s13] =	ssyncadd.s32 $0xFFFFC000  }
0xc8: {  	_ =	swait.ge [sflag:s13], $0x4000  }
.Ltmp1:
0xc9: {  	[sflag:s13] =	ssyncset.done $0x0;
	(pc) =	sbr.rel @p0 .LBB2_1-.Ltmp1, $4  }
0xca: {  	[sflag:s13] =	ssyncadd.s32 $0xFFFFC000  }
0xcb: {  	[hbm4b:s22+s2] =	stream.linear.scatter [tilespmem:s7], [sflag:$0x2], $0x10000, $0x38;
	[tilespmem:$0x10400] =	vst v63  }
0xcc: {  	_ =	swait.ge [sflag:s3], $0x10000  }
0xcd: {  	[sflag:s3] =	ssyncset.done $0x0  }
.LBB2_2:
0xce: {  	[sflag:s3] =	ssyncadd.s32 $0xFFFF0000  }
0xcf: {  	_ =	sfence.sel $0x180000  }
0xd0: {  	[bflag:$0x0] =	sbarrier.arrive $0xFFFF  }
0xd1: {  	p0 =	sne.s32 s0, $0x0;
	_ =	strace $0x9000004A  }
0xd2: {  	s0 =	sadd.s32 @!p0 $0x100000, s1;
	[bflag:$0x2] =	sbarrier.arrive $0xFFFF  }
0xd3: {  	[sflag:s0] =	ssyncadd.tile.s32 @!p0 $0x1;
	_ =	shalt  }
.Lfunc_end2:
_tile_overlayer_lowered:
.L_overlay_start_2:
0xd4: {  	(tag) =	ssettag $0x2  }
0xd5: {  	s0 =	rddreg [dreg:$0x0];
	s2 =	stileid.u32  }
0xd6: {  	s1 =	rddreg [dreg:$0x1];
	p0 =	sne.s32 s2, $0x0  }
0xd7: {  	s3 =	rddreg [dreg:$0x2];
	[bflag:$0x3] =	sbarrier.arrive $0xFFFF;
	s2 =	simm.s32 @!p0 $0x1C02  }
0xd8: {  	[timem:s3], [sflag:s2] =	dma.local @!p0 [hbm:s0], s1  }
0xd9: {  	s0 =	simm.s32 @!p0 $0x2  }
0xda: {  	_ =	swait.ge @!p0 [sflag:s0], s1  }
0xdb: {  	s1 =	ssub.s32 @!p0 $0x0, s1;
	[sflag:s0] =	ssyncset.done @!p0 $0x0  }
0xdc: {  	[sflag:s0] =	ssyncadd.s32 @!p0 s1  }
0xdd: {  	[bflag:$0x3] =	sbarrier.arrive $0xFFFF  }
0xde: {  	_ =	shalt  }

// kernel: kernel.7.cloned.1.call-start
scs
__scs_entry_jumppad:
0x0: {  	(pc) =	sbr.rel $0x88, $3  }
0x1: {  	(tag) =	ssettag $0x0;
	lr =	simm.s32 $0x1  }
0x2: {  	[smem:$0x3F9E] =	sst lr;
	_ =	strace $0xD0000000  }
0x3: {  	_ = 	snop  }
0x4: {  	_ = 	snop  }
0x5: {  	_ = 	snop  }
0x6: {  	_ = 	snop  }
0x7: {  	_ = 	snop  }
__scs_overlays_trampoline_lowered:
0x8: {  	[smem:$0x3FAD] =	sst s0  }
0x9: {  	[smem:$0x3FAE] =	sst s1  }
0xa: {  	[smem:$0x3FAF] =	sst s2  }
0xb: {  	[smem:$0x3FB0] =	sst s3  }
0xc: {  	[smem:$0x3FB1] =	sst s4  }
0xd: {  	[smem:$0x3FB2] =	sst s5  }
0xe: {  	[smem:$0x3FB3] =	sst s6  }
0xf: {  	[smem:$0x3FB4] =	sst s7  }
0x10: {  	[smem:$0x3FB5] =	sst s8  }
0x11: {  	[smem:$0x3FB6] =	sst s9;
	s0 =	simm.s32 @!p0 $0x0  }
0x12: {  	s1 =	sld [smem:$0x3F9C];
	s0 =	simm.s32 @p0 $0x1  }
0x13: {  	[smem:$0x3FB7] =	sst s0;
	s0 =	simm.s32 @!p1 $0x0  }
0x14: {  	s2 =	sld [smem:$0x3F9B];
	s0 =	simm.s32 @p1 $0x1  }
0x15: {  	[smem:$0x3FB8] =	sst s0;
	s0 =	simm.s32 @!p2 $0x0  }
0x16: {  	s3 =	sld [smem:$0x3FDB];
	s0 =	simm.s32 @p2 $0x1  }
0x17: {  	s4 =	simm.s32 $0x1BF5;
	[smem:$0x3FBA] =	sst s0  }
0x18: {  	s0 =	sld [smem:$0x3F9D];
	_ =	swait.ge [sflag:s4], $0x0  }
0x19: {  	s7 =	sld [smem:$0x3F9E]  }
0x1a: {  	s8 =	sadd.s32 $0xFFFFE003, lr  }
0x1b: {  	s9 =	sadd.s32 $0xFFFFFEF7, lr;
	s5 =	simm.s32 $0xFFFFFFFF;
	p2 =	slt.u32 s8, $0xFFFFF086  }
0x1c: {  	p1 =	slt.u32 s9, $0xF7A;
	s5 =	simm.s32 @!p2 $0x0  }
0x1d: {  	s5 =	simm.s32 @p1 $0x1;
	p0 =	seq.s32 s7, s2  }
0x1e: {  	s7 =	smul.u32 @!p0 $0xF7A, s2;
	p2 =	seq.s32 @!p0 s5, $0x0  }
0x1f: {  	s9 =	smul.u32 $0xF7A, s1;
	s8 =	simm.s32 @!p0 $0x1BF5;
	p2 =	por !p2, p0  }
0x20: {  	[sflag:s8] =	ssyncset.s32 @!p0 $0xFFFFF086;
	s6 =	sadd.s32 @!p0 s3, s7;
	s7 =	simm.s32 @!p0 $0x108  }
0x21: {  	s3 =	sadd.s32 s3, s9;
	s6 =	sadd.s32 @!p0 $0x88, s6;
	s7 =	simm.s32 @p2 $0x1082  }
0x22: {  	[simem:s7], [sflag:s8] =	dma.local @!p0 [hbm:s6], $0xF7A  }
0x23: {  	s9 =	sor.u32 $0xD0000000, s2;
	s6 =	simm.s32 $0x108;
	_ =	swait.ge @!p0 [sflag:s8], $0x0  }
0x24: {  	s3 =	sadd.s32 $0x88, s3;
	s6 =	simm.s32 @!p1 $0x1082;
	[sflag:s4] =	ssyncset.s32 $0xFFFFF086  }
0x25: {  	[simem:s6], [sflag:s4] =	dma.local [hbm:s3], $0xF7A  }
0x26: {  	[smem:$0x3F9E] =	sst s1;
	(tag) =	ssettag s2;
	_ =	strace s9  }
0x27: {  	s1 =	sld [smem:$0x3FAE]  }
0x28: {  	s2 =	sld [smem:$0x3FAF]  }
0x29: {  	s4 =	sld [smem:$0x3FB1]  }
0x2a: {  	p0 =	seq.s32 s5, $0x0;
	s5 =	sld [smem:$0x3FB2]  }
0x2b: {  	s6 =	sld [smem:$0x3FB3]  }
0x2c: {  	s7 =	sld [smem:$0x3FB4]  }
0x2d: {  	s3 =	simm.s32 $0x108;
	s8 =	sld [smem:$0x3FB5]  }
0x2e: {  	s3 =	simm.s32 @!p0 $0x1082;
	s9 =	sld [smem:$0x3FB6]  }
0x2f: {  	lr =	sadd.s32 s0, s3;
	s0 =	sld [smem:$0x3FAD]  }
0x30: {  	s3 =	sld [smem:$0x3FB0]  }
0x31: {  	[smem:$0x3FB9] =	sst s10  }
0x32: {  	s10 =	sld [smem:$0x3FB7];
	_ =	sdelay $0x3  }
0x33: {  	p0 =	seq.s32 s10, $0x1;
	s10 =	sld [smem:$0x3FB9];
	_ =	sdelay $0x3  }
0x34: {  	[smem:$0x3FB9] =	sst s10  }
0x35: {  	s10 =	sld [smem:$0x3FB8];
	_ =	sdelay $0x3  }
0x36: {  	p1 =	seq.s32 s10, $0x1;
	s10 =	sld [smem:$0x3FB9];
	_ =	sdelay $0x3  }
0x37: {  	[smem:$0x3FB9] =	sst s10  }
0x38: {  	s10 =	sld [smem:$0x3FBA]  }
0x39: {  	_ = 	snop;
	(pc) =	sbr.ind lr, $3  }
0x3a: {  	_ = 	snop  }
0x3b: {  	_ = 	snop  }
0x3c: {  	p2 =	seq.s32 s10, $0x1;
	s10 =	sld [smem:$0x3FB9]  }
0x3d: {  	_ =	shalt  }
0x3e: {  	_ =	shalt  }
0x3f: {  	_ =	shalt  }
0x40: {  	_ =	shalt  }
0x41: {  	_ =	shalt  }
0x42: {  	_ =	shalt  }
0x43: {  	_ =	shalt  }
0x44: {  	_ =	shalt  }
0x45: {  	_ =	shalt  }
0x46: {  	_ =	shalt  }
0x47: {  	_ =	shalt  }
0x48: {  	_ =	shalt  }
0x49: {  	_ =	shalt  }
0x4a: {  	_ =	shalt  }
0x4b: {  	_ =	shalt  }
0x4c: {  	_ =	shalt  }
0x4d: {  	_ =	shalt  }
0x4e: {  	_ =	shalt  }
0x4f: {  	_ =	shalt  }
0x50: {  	_ =	shalt  }
0x51: {  	_ =	shalt  }
0x52: {  	_ =	shalt  }
0x53: {  	_ =	shalt  }
0x54: {  	_ =	shalt  }
0x55: {  	_ =	shalt  }
0x56: {  	_ =	shalt  }
0x57: {  	_ =	shalt  }
0x58: {  	_ =	shalt  }
0x59: {  	_ =	shalt  }
0x5a: {  	_ =	shalt  }
0x5b: {  	_ =	shalt  }
0x5c: {  	_ =	shalt  }
0x5d: {  	_ =	shalt  }
0x5e: {  	_ =	shalt  }
0x5f: {  	_ =	shalt  }
0x60: {  	_ =	shalt  }
0x61: {  	_ =	shalt  }
0x62: {  	_ =	shalt  }
0x63: {  	_ =	shalt  }
0x64: {  	_ =	shalt  }
0x65: {  	_ =	shalt  }
0x66: {  	_ =	shalt  }
0x67: {  	_ =	shalt  }
0x68: {  	_ =	shalt  }
0x69: {  	_ =	shalt  }
0x6a: {  	_ =	shalt  }
0x6b: {  	_ =	shalt  }
0x6c: {  	_ =	shalt  }
0x6d: {  	_ =	shalt  }
0x6e: {  	_ =	shalt  }
0x6f: {  	_ =	shalt  }
0x70: {  	_ =	shalt  }
0x71: {  	_ =	shalt  }
0x72: {  	_ =	shalt  }
0x73: {  	_ =	shalt  }
0x74: {  	_ =	shalt  }
0x75: {  	_ =	shalt  }
0x76: {  	_ =	shalt  }
0x77: {  	_ =	shalt  }
0x78: {  	_ =	shalt  }
0x79: {  	_ =	shalt  }
0x7a: {  	_ =	shalt  }
0x7b: {  	_ =	shalt  }
0x7c: {  	_ =	shalt  }
0x7d: {  	_ =	shalt  }
0x7e: {  	_ =	shalt  }
0x7f: {  	_ =	shalt  }
0x80: {  	_ =	shalt  }
0x81: {  	_ =	shalt  }
0x82: {  	_ =	shalt  }
0x83: {  	_ =	shalt  }
0x84: {  	_ =	shalt  }
0x85: {  	_ =	shalt  }
0x86: {  	_ =	shalt  }
0x87: {  	_ =	shalt  }
.Lfunc_end0:
.L_simem_size_0:
called_computation_lowered:
.L_overlay_start_0:
0x88: {  	s2 =	sld [smem:$0x3FD9]  }
0x89: {  	s3 =	sld [smem:$0x3FFE];
	_ =	sdelay $0x1  }
0x8a: {  	s1 =	srdreg.scid  }
0x8b: {  	s0 =	sand.u32 $0x1, s1  }
0x8c: {  	s17 =	sshll.u32 s0, $0xA;
	s2 =	sadd.s32 s3, s2  }
0x8d: {  	s2 =	sadd.s32 s2, s17  }
0x8e: {  	[smem:$0x3FC5] =	sst s2  }
0x8f: {  	_ = 	snop  }
0x90: {  	s2 =	sld [smem:$0x3FD0];
	(tm) =	ssettm $0x1  }
0x91: {  	s18 =	sld [smem:$0x3FFB];
	_ =	sdelay $0x3  }
0x92: {  	_ =	strace s18  }
0x93: {  	s3 =	sld [smem:$0x3FFC];
	_ =	sdelay $0x3  }
0x94: {  	_ =	strace s3  }
0x95: {  	s3 =	sld [smem:$0x3FFD];
	_ =	sdelay $0x3  }
0x96: {  	_ =	strace s3  }
0x97: {  	_ =	strace $0x8FFFFFFF  }
0x98: {  	s19 =	sld [smem:$0x3FDB];
	_ =	sdelay $0x1  }
0x99: {  	s4 =	simm.s32 $_scs_section_size  }
0x9a: {  	s5 =	simm.s32 $_size__tile_overlayer_lowered;
	s6 =	simm.s32 $_tile_overlayer_lowered  }
0x9b: {  	s22 =	simm.s32 $0x1BFF;
	s21 =	sshll.u32 s6, $0x1;
	s3 =	sadd.s32 s4, s19  }
0x9c: {  	s7 =	simm.s32 $0x0;
	s20 =	sshll.u32 s5, $0x1;
	s5 =	sadd.s32 s21, s3  }
0x9d: {  	[timem:s7], [sflag:s22] =	dma.local [hbm:s5], s20  }
0x9e: {  	_ =	swait.ge [sflag:s22], s20  }
0x9f: {  	s4 =	ssub.s32 $0x0, s20;
	[sflag:s22] =	ssyncset.done $0x0  }
0xa0: {  	[sflag:s22] =	ssyncadd.s32 s4;
	_ =	sdelay $0x1  }
0xa1: {  	s23 =	simm.s32 $0x1B8B  }
0xa2: {  	_ =	swait.ge [sflag:s23], $0x1  }
0xa3: {  	[sflag:s23] =	ssyncset.done $0x0  }
0xa4: {  	s25 =	simm.s32 $0x1B8E;
	s24 =	sld [smem:$0x3FFE];
	[sflag:s23] =	ssyncadd.s32 $0xFFFFFFFF  }
0xa5: {  	s26 =	simm.s32 $execute0_lowered;
	[smem:$0x3FD2] =	sst s25  }
0xa6: {  	s5 =	sshll.u32 s26, $0x1;
	_ =	strace $0x80000046;
	[dreg:$0x1] =	wrdreg $0xFFFFFFFF  }
0xa7: {  	s28 =	simm.s32 $_size_execute0_lowered;
	s3 =	sadd.s32 s3, s5;
	[dreg:$0x0] =	wrdreg $0x0  }
0xa8: {  	s5 =	sshll.u32 s28, $0x1;
	[dreg:$0x2] =	wrdreg s3  }
0xa9: {  	[dreg:$0x3] =	wrdreg s5  }
0xaa: {  	[dreg:$0x4] =	wrdreg $0xC0  }
0xab: {  	_ =	task [dreg:s7], $0x5FFFF  }
0xac: {  	[dreg:$0x1] =	wrdreg $0xFFFFFFFF  }
0xad: {  	[dreg:$0x0] =	wrdreg $0x60  }
0xae: {  	[dreg:$0x2] =	wrdreg s24  }
0xaf: {  	[dreg:$0x3] =	wrdreg s2  }
0xb0: {  	[dreg:$0x4] =	wrdreg $0x9  }
0xb1: {  	_ =	task.clear_ibuf [dreg:s7], $0x5FFFF;
	_ =	strace $0x90000046  }
0xb2: {  	s29 =	simm.s32 $0x9;
	_ =	strace $0x80000048  }
0xb3: {  	_ =	swait.ge [sflag:s29], $0x1  }
0xb4: {  	[sflag:s29] =	ssyncadd.s32 $0xFFFFFFFF  }
0xb5: {  	_ =	strace $0x90000048  }
0xb6: {  	_ =	sfence  }
0xb7: {  	s30 =	sld [smem:$0x0];
	_ =	sdelay $0x2  }
0xb8: {  	s31 =	sshll.u32 s1, $0xD;
	s1 =	sshrl.u32 s1, $0x2  }
0xb9: {  	s3 =	sand.u32 $0x4000, s31;
	s1 =	sadd.s32 s1, s30  }
0xba: {  	s0 =	sor.u32 s3, s0;
	s1 =	sshll.u32 s1, $0x11  }
0xbb: {  	s0 =	sor.u32 s1, s0  }
0xbc: {  	s0 =	sadd.s32 $0x8F2B, s0  }
0xbd: {  	[sflag:s0] =	ssyncadd.remote.s32 $0x1  }
0xbe: {  	_ =	sfence.sel $0xFFFF  }
0xbf: {  	[dreg:$0x0] =	wrdreg $0xFFFFFFFF;
	(pc) =	sbr.abs _section_cstart, $3  }
0xc0: {  	[dreg:$0x1] =	wrdreg $0xFFFFFFFF  }
0xc1: {  	_ =	task.clear_ibuf [dreg:s7], $0x2FFFF;
	_ =	strace $0x9FFFFFFF  }
0xc2: {  	(tm) =	ssettm $0x7FFFFFFF  }
0xc3: {  	_ =	shalt  }
tec
execute0_lowered:
.L_overlay_start_1:
0x0: {  	(tag) =	ssettag $0x1  }
0x1: {  	s1 =	srdreg.scid  }
0x2: {  	s7 =	rddreg [dreg:$0x0];
	s0 =	stileid.u32;
	s23 =	sand.u32 $0x1, s1  }
0x3: {  	s20 =	rddreg [dreg:$0x1];
	s3 =	sshll.u32 s0, $0xC;
	s4 =	sshll.u32 s23, $0xB  }
0x4: {  	s2 =	simm.s32 $0x0;
	s1 =	rddreg [dreg:$0x2];
	s22 =	sor.u32 s4, s3  }
0x5: {  	[smem:$0x7FF] =	sst s2;
	s3 =	sshrl.u32 s22, $0x3  }
0x6: {  	_ =	strace $0x80000047;
	s4 =	simm.s32 $0x2;
	s3 =	sadd.s32 s20, s3  }
0x7: {  	[tilespmem:s2], [sflag:$0x2] =	stream.linear.gather [hbm4b:s3+s2], $0x400, $0x38;
	[tilespmem:$0x10400] =	vst v63  }
0x8: {  	_ =	swait.ge [sflag:s4], $0x400  }
0x9: {  	s21 =	sadd.s32 $0x1A00, s7;
	s5 =	sshll.u32 s22, $0x4;
	[sflag:s4] =	ssyncset.done $0x0  }
0xa: {  	s6 =	simm.s32 $0x400;
	s5 =	sadd.s32 s21, s5;
	[sflag:s4] =	ssyncadd.s32 $0xFFFFFC00  }
0xb: {  	[tilespmem:s6], [sflag:$0x2] =	stream.linear.gather [hbm4b:s5+s2], $0x10000, $0x38;
	[tilespmem:$0x10400] =	vst v63  }
0xc: {  	_ =	swait.ge [sflag:s4], $0x10000  }
0xd: {  	[sflag:s4] =	ssyncset.done $0x0  }
0xe: {  	s8 =	simm.s32 $0x80;
	s7 =	sadd.s32 $0x101A00, s7;
	[sflag:s4] =	ssyncadd.s32 $0xFFFF0000  }
0xf: {  	[hbm4b:s7+s8] =	stream.indirect.scatter [tilespmem:s6], [sflag:$0x1], $0x80, s2, s8, $0xb8;
	[tilespmem:$0x10400] =	vst v63  }
0x10: {  	s9 =	simm.s32 $0x4400  }
0x11: {  	[hbm4b:s7+s8] =	stream.indirect.scatter [tilespmem:s9], [sflag:$0x1], $0x80, s8, s8, $0xb8;
	[tilespmem:$0x10400] =	vst v63  }
0x12: {  	s10 =	simm.s32 $0x100;
	s11 =	simm.s32 $0x8400  }
0x13: {  	[hbm4b:s7+s8] =	stream.indirect.scatter [tilespmem:s11], [sflag:$0x1], $0x80, s10, s8, $0xb8;
	[tilespmem:$0x10400] =	vst v63  }
0x14: {  	s12 =	simm.s32 $0x180;
	s14 =	simm.s32 $0xC400;
	s13 =	simm.s32 $0x1  }
0x15: {  	[hbm4b:s7+s8] =	stream.indirect.scatter [tilespmem:s14], [sflag:$0x1], $0x80, s12, s8, $0xb8;
	[tilespmem:$0x10400] =	vst v63  }
0x16: {  	_ =	swait.ge [sflag:s13], $0x4000  }
0x17: {  	[sflag:s13] =	ssyncset.done $0x0  }
0x18: {  	[sflag:s13] =	ssyncadd.s32 $0xFFFFC000  }
0x19: {  	_ =	swait.ge [sflag:s13], $0x4000  }
0x1a: {  	[sflag:s13] =	ssyncset.done $0x0  }
0x1b: {  	[sflag:s13] =	ssyncadd.s32 $0xFFFFC000  }
0x1c: {  	_ =	swait.ge [sflag:s13], $0x4000  }
0x1d: {  	[sflag:s13] =	ssyncset.done $0x0  }
0x1e: {  	[sflag:s13] =	ssyncadd.s32 $0xFFFFC000  }
0x1f: {  	_ =	swait.ge [sflag:s13], $0x4000  }
0x20: {  	[sflag:s13] =	ssyncset.done $0x0  }
0x21: {  	s15 =	sadd.s32 $0x2000, s5;
	[sflag:s13] =	ssyncadd.s32 $0xFFFFC000  }
0x22: {  	[tilespmem:s6], [sflag:$0x2] =	stream.linear.gather [hbm4b:s15+s2], $0x10000, $0x38;
	[tilespmem:$0x10400] =	vst v63  }
0x23: {  	_ =	swait.ge [sflag:s4], $0x10000  }
0x24: {  	[sflag:s4] =	ssyncset.done $0x0  }
0x25: {  	s16 =	simm.s32 $0x200;
	[sflag:s4] =	ssyncadd.s32 $0xFFFF0000  }
0x26: {  	[hbm4b:s7+s8] =	stream.indirect.scatter [tilespmem:s6], [sflag:$0x1], $0x80, s16, s8, $0xb8;
	[tilespmem:$0x10400] =	vst v63  }
0x27: {  	s17 =	simm.s32 $0x280  }
0x28: {  	[hbm4b:s7+s8] =	stream.indirect.scatter [tilespmem:s9], [sflag:$0x1], $0x80, s17, s8, $0xb8;
	[tilespmem:$0x10400] =	vst v63  }
0x29: {  	s18 =	simm.s32 $0x300  }
0x2a: {  	[hbm4b:s7+s8] =	stream.indirect.scatter [tilespmem:s11], [sflag:$0x1], $0x80, s18, s8, $0xb8;
	[tilespmem:$0x10400] =	vst v63  }
0x2b: {  	s19 =	simm.s32 $0x380  }
0x2c: {  	[hbm4b:s7+s8] =	stream.indirect.scatter [tilespmem:s14], [sflag:$0x1], $0x80, s19, s8, $0xb8;
	[tilespmem:$0x10400] =	vst v63  }
0x2d: {  	_ =	swait.ge [sflag:s13], $0x4000  }
0x2e: {  	[sflag:s13] =	ssyncset.done $0x0  }
0x2f: {  	[sflag:s13] =	ssyncadd.s32 $0xFFFFC000  }
0x30: {  	_ =	swait.ge [sflag:s13], $0x4000  }
0x31: {  	[sflag:s13] =	ssyncset.done $0x0  }
0x32: {  	[sflag:s13] =	ssyncadd.s32 $0xFFFFC000  }
0x33: {  	_ =	swait.ge [sflag:s13], $0x4000  }
0x34: {  	[sflag:s13] =	ssyncset.done $0x0  }
0x35: {  	[sflag:s13] =	ssyncadd.s32 $0xFFFFC000  }
0x36: {  	s22 =	sor.u32 $0x400, s22;
	_ =	swait.ge [sflag:s13], $0x4000  }
0x37: {  	s24 =	sshrl.u32 s22, $0x3;
	[sflag:s13] =	ssyncset.done $0x0  }
0x38: {  	s20 =	sadd.s32 s20, s24;
	[sflag:s13] =	ssyncadd.s32 $0xFFFFC000  }
0x39: {  	[tilespmem:s2], [sflag:$0x2] =	stream.linear.gather [hbm4b:s20+s2], $0x400, $0x38;
	[tilespmem:$0x10400] =	vst v63  }
0x3a: {  	_ =	swait.ge [sflag:s4], $0x400  }
0x3b: {  	s22 =	sshll.u32 s22, $0x4;
	[sflag:s4] =	ssyncset.done $0x0  }
0x3c: {  	s21 =	sadd.s32 s21, s22;
	[sflag:s4] =	ssyncadd.s32 $0xFFFFFC00  }
0x3d: {  	[tilespmem:s6], [sflag:$0x2] =	stream.linear.gather [hbm4b:s21+s2], $0x10000, $0x38;
	[tilespmem:$0x10400] =	vst v63  }
0x3e: {  	_ =	swait.ge [sflag:s4], $0x10000  }
0x3f: {  	[sflag:s4] =	ssyncset.done $0x0  }
0x40: {  	[sflag:s4] =	ssyncadd.s32 $0xFFFF0000  }
0x41: {  	[hbm4b:s7+s8] =	stream.indirect.scatter [tilespmem:s6], [sflag:$0x1], $0x80, s2, s8, $0xb8;
	[tilespmem:$0x10400] =	vst v63  }
0x42: {  	_ = 	snop  }
0x43: {  	[hbm4b:s7+s8] =	stream.indirect.scatter [tilespmem:s9], [sflag:$0x1], $0x80, s8, s8, $0xb8;
	[tilespmem:$0x10400] =	vst v63  }
0x44: {  	_ = 	snop  }
0x45: {  	[hbm4b:s7+s8] =	stream.indirect.scatter [tilespmem:s11], [sflag:$0x1], $0x80, s10, s8, $0xb8;
	[tilespmem:$0x10400] =	vst v63  }
0x46: {  	_ = 	snop  }
0x47: {  	[hbm4b:s7+s8] =	stream.indirect.scatter [tilespmem:s14], [sflag:$0x1], $0x80, s12, s8, $0xb8;
	[tilespmem:$0x10400] =	vst v63  }
0x48: {  	_ =	swait.ge [sflag:s13], $0x4000  }
0x49: {  	[sflag:s13] =	ssyncset.done $0x0  }
0x4a: {  	[sflag:s13] =	ssyncadd.s32 $0xFFFFC000  }
0x4b: {  	_ =	swait.ge [sflag:s13], $0x4000  }
0x4c: {  	[sflag:s13] =	ssyncset.done $0x0  }
0x4d: {  	[sflag:s13] =	ssyncadd.s32 $0xFFFFC000  }
0x4e: {  	_ =	swait.ge [sflag:s13], $0x4000  }
0x4f: {  	[sflag:s13] =	ssyncset.done $0x0  }
0x50: {  	[sflag:s13] =	ssyncadd.s32 $0xFFFFC000  }
0x51: {  	_ =	swait.ge [sflag:s13], $0x4000  }
0x52: {  	[sflag:s13] =	ssyncset.done $0x0  }
0x53: {  	s22 =	sadd.s32 $0x6000, s5;
	[sflag:s13] =	ssyncadd.s32 $0xFFFFC000  }
0x54: {  	[tilespmem:s6], [sflag:$0x2] =	stream.linear.gather [hbm4b:s22+s2], $0x10000, $0x38;
	[tilespmem:$0x10400] =	vst v63  }
0x55: {  	_ =	swait.ge [sflag:s4], $0x10000  }
0x56: {  	[sflag:s4] =	ssyncset.done $0x0  }
0x57: {  	[sflag:s4] =	ssyncadd.s32 $0xFFFF0000  }
0x58: {  	[hbm4b:s7+s8] =	stream.indirect.scatter [tilespmem:s6], [sflag:$0x1], $0x80, s16, s8, $0xb8;
	[tilespmem:$0x10400] =	vst v63  }
0x59: {  	_ = 	snop  }
0x5a: {  	[hbm4b:s7+s8] =	stream.indirect.scatter [tilespmem:s9], [sflag:$0x1], $0x80, s17, s8, $0xb8;
	[tilespmem:$0x10400] =	vst v63  }
0x5b: {  	_ = 	snop  }
0x5c: {  	[hbm4b:s7+s8] =	stream.indirect.scatter [tilespmem:s11], [sflag:$0x1], $0x80, s18, s8, $0xb8;
	[tilespmem:$0x10400] =	vst v63  }
0x5d: {  	_ = 	snop  }
0x5e: {  	[hbm4b:s7+s8] =	stream.indirect.scatter [tilespmem:s14], [sflag:$0x1], $0x80, s19, s8, $0xb8;
	[tilespmem:$0x10400] =	vst v63  }
0x5f: {  	_ =	swait.ge [sflag:s13], $0x4000  }
0x60: {  	s23 =	ssub.s32 $0x2, s23;
	[sflag:s13] =	ssyncset.done $0x0  }
0x61: {  	s31 =	sshrl.u32 s23, $0x1;
	[sflag:s13] =	ssyncadd.s32 $0xFFFFC000  }
0x62: {  	s23 =	ssub.s32 s23, s31;
	_ =	swait.ge [sflag:s13], $0x4000  }
0x63: {  	s23 =	smax.u32 s23, $0x1;
	[sflag:s13] =	ssyncset.done $0x0  }
0x64: {  	p0 =	sne.s32 s23, $0x1;
	[sflag:s13] =	ssyncadd.s32 $0xFFFFC000  }
.Ltmp0:
0x65: {  	_ =	swait.ge [sflag:s13], $0x4000;
	(pc) =	sbr.rel @!p0 .LBB2_2-.Ltmp0, $4  }
0x66: {  	[sflag:s13] =	ssyncset.done $0x0  }
0x67: {  	[sflag:s13] =	ssyncadd.s32 $0xFFFFC000  }
0x68: {  	_ =	swait.ge [sflag:s13], $0x4000  }
0x69: {  	s23 =	sadd.s32 $0xFFFFFFFF, s23;
	[sflag:s13] =	ssyncset.done $0x0  }
.LBB2_1:
0x6a: {  	p0 =	sne.s32 s23, $0x1;
	s23 =	sadd.s32 $0xFFFFFFFF, s23;
	[sflag:s13] =	ssyncadd.s32 $0xFFFFC000  }
0x6b: {  	[tilespmem:s2], [sflag:$0x2] =	stream.linear.gather [hbm4b:s3+s2], $0x400, $0x38;
	[tilespmem:$0x10400] =	vst v63  }
0x6c: {  	_ =	swait.ge [sflag:s4], $0x400  }
0x6d: {  	[sflag:s4] =	ssyncset.done $0x0  }
0x6e: {  	[sflag:s4] =	ssyncadd.s32 $0xFFFFFC00  }
0x6f: {  	[tilespmem:s6], [sflag:$0x2] =	stream.linear.gather [hbm4b:s5+s2], $0x10000, $0x38;
	[tilespmem:$0x10400] =	vst v63  }
0x70: {  	_ =	swait.ge [sflag:s4], $0x10000  }
0x71: {  	[sflag:s4] =	ssyncset.done $0x0  }
0x72: {  	[sflag:s4] =	ssyncadd.s32 $0xFFFF0000  }
0x73: {  	[hbm4b:s7+s8] =	stream.indirect.scatter [tilespmem:s6], [sflag:$0x1], $0x80, s2, s8, $0xb8;
	[tilespmem:$0x10400] =	vst v63  }
0x74: {  	_ = 	snop  }
0x75: {  	[hbm4b:s7+s8] =	stream.indirect.scatter [tilespmem:s9], [sflag:$0x1], $0x80, s8, s8, $0xb8;
	[tilespmem:$0x10400] =	vst v63  }
0x76: {  	_ = 	snop  }
0x77: {  	[hbm4b:s7+s8] =	stream.indirect.scatter [tilespmem:s11], [sflag:$0x1], $0x80, s10, s8, $0xb8;
	[tilespmem:$0x10400] =	vst v63  }
0x78: {  	_ = 	snop  }
0x79: {  	[hbm4b:s7+s8] =	stream.indirect.scatter [tilespmem:s14], [sflag:$0x1], $0x80, s12, s8, $0xb8;
	[tilespmem:$0x10400] =	vst v63  }
0x7a: {  	_ =	swait.ge [sflag:s13], $0x4000  }
0x7b: {  	[sflag:s13] =	ssyncset.done $0x0  }
0x7c: {  	[sflag:s13] =	ssyncadd.s32 $0xFFFFC000  }
0x7d: {  	_ =	swait.ge [sflag:s13], $0x4000  }
0x7e: {  	[sflag:s13] =	ssyncset.done $0x0  }
0x7f: {  	[sflag:s13] =	ssyncadd.s32 $0xFFFFC000  }
0x80: {  	_ =	swait.ge [sflag:s13], $0x4000  }
0x81: {  	[sflag:s13] =	ssyncset.done $0x0  }
0x82: {  	[sflag:s13] =	ssyncadd.s32 $0xFFFFC000  }
0x83: {  	_ =	swait.ge [sflag:s13], $0x4000  }
0x84: {  	[sflag:s13] =	ssyncset.done $0x0  }
0x85: {  	[sflag:s13] =	ssyncadd.s32 $0xFFFFC000  }
0x86: {  	[tilespmem:s6], [sflag:$0x2] =	stream.linear.gather [hbm4b:s15+s2], $0x10000, $0x38;
	[tilespmem:$0x10400] =	vst v63  }
0x87: {  	_ =	swait.ge [sflag:s4], $0x10000  }
0x88: {  	[sflag:s4] =	ssyncset.done $0x0  }
0x89: {  	[sflag:s4] =	ssyncadd.s32 $0xFFFF0000  }
0x8a: {  	[hbm4b:s7+s8] =	stream.indirect.scatter [tilespmem:s6], [sflag:$0x1], $0x80, s16, s8, $0xb8;
	[tilespmem:$0x10400] =	vst v63  }
0x8b: {  	_ = 	snop  }
0x8c: {  	[hbm4b:s7+s8] =	stream.indirect.scatter [tilespmem:s9], [sflag:$0x1], $0x80, s17, s8, $0xb8;
	[tilespmem:$0x10400] =	vst v63  }
0x8d: {  	_ = 	snop  }
0x8e: {  	[hbm4b:s7+s8] =	stream.indirect.scatter [tilespmem:s11], [sflag:$0x1], $0x80, s18, s8, $0xb8;
	[tilespmem:$0x10400] =	vst v63  }
0x8f: {  	_ = 	snop  }
0x90: {  	[hbm4b:s7+s8] =	stream.indirect.scatter [tilespmem:s14], [sflag:$0x1], $0x80, s19, s8, $0xb8;
	[tilespmem:$0x10400] =	vst v63  }
0x91: {  	_ =	swait.ge [sflag:s13], $0x4000  }
0x92: {  	[sflag:s13] =	ssyncset.done $0x0  }
0x93: {  	[sflag:s13] =	ssyncadd.s32 $0xFFFFC000  }
0x94: {  	_ =	swait.ge [sflag:s13], $0x4000  }
0x95: {  	[sflag:s13] =	ssyncset.done $0x0  }
0x96: {  	[sflag:s13] =	ssyncadd.s32 $0xFFFFC000  }
0x97: {  	_ =	swait.ge [sflag:s13], $0x4000  }
0x98: {  	[sflag:s13] =	ssyncset.done $0x0  }
0x99: {  	[sflag:s13] =	ssyncadd.s32 $0xFFFFC000  }
0x9a: {  	_ =	swait.ge [sflag:s13], $0x4000  }
0x9b: {  	[sflag:s13] =	ssyncset.done $0x0  }
0x9c: {  	[sflag:s13] =	ssyncadd.s32 $0xFFFFC000  }
0x9d: {  	[tilespmem:s2], [sflag:$0x2] =	stream.linear.gather [hbm4b:s20+s2], $0x400, $0x38;
	[tilespmem:$0x10400] =	vst v63  }
0x9e: {  	_ =	swait.ge [sflag:s4], $0x400  }
0x9f: {  	[sflag:s4] =	ssyncset.done $0x0  }
0xa0: {  	[sflag:s4] =	ssyncadd.s32 $0xFFFFFC00  }
0xa1: {  	[tilespmem:s6], [sflag:$0x2] =	stream.linear.gather [hbm4b:s21+s2], $0x10000, $0x38;
	[tilespmem:$0x10400] =	vst v63  }
0xa2: {  	_ =	swait.ge [sflag:s4], $0x10000  }
0xa3: {  	[sflag:s4] =	ssyncset.done $0x0  }
0xa4: {  	[sflag:s4] =	ssyncadd.s32 $0xFFFF0000  }
0xa5: {  	[hbm4b:s7+s8] =	stream.indirect.scatter [tilespmem:s6], [sflag:$0x1], $0x80, s2, s8, $0xb8;
	[tilespmem:$0x10400] =	vst v63  }
0xa6: {  	_ = 	snop  }
0xa7: {  	[hbm4b:s7+s8] =	stream.indirect.scatter [tilespmem:s9], [sflag:$0x1], $0x80, s8, s8, $0xb8;
	[tilespmem:$0x10400] =	vst v63  }
0xa8: {  	_ = 	snop  }
0xa9: {  	[hbm4b:s7+s8] =	stream.indirect.scatter [tilespmem:s11], [sflag:$0x1], $0x80, s10, s8, $0xb8;
	[tilespmem:$0x10400] =	vst v63  }
0xaa: {  	_ = 	snop  }
0xab: {  	[hbm4b:s7+s8] =	stream.indirect.scatter [tilespmem:s14], [sflag:$0x1], $0x80, s12, s8, $0xb8;
	[tilespmem:$0x10400] =	vst v63  }
0xac: {  	_ =	swait.ge [sflag:s13], $0x4000  }
0xad: {  	[sflag:s13] =	ssyncset.done $0x0  }
0xae: {  	[sflag:s13] =	ssyncadd.s32 $0xFFFFC000  }
0xaf: {  	_ =	swait.ge [sflag:s13], $0x4000  }
0xb0: {  	[sflag:s13] =	ssyncset.done $0x0  }
0xb1: {  	[sflag:s13] =	ssyncadd.s32 $0xFFFFC000  }
0xb2: {  	_ =	swait.ge [sflag:s13], $0x4000  }
0xb3: {  	[sflag:s13] =	ssyncset.done $0x0  }
0xb4: {  	[sflag:s13] =	ssyncadd.s32 $0xFFFFC000  }
0xb5: {  	_ =	swait.ge [sflag:s13], $0x4000  }
0xb6: {  	[sflag:s13] =	ssyncset.done $0x0  }
0xb7: {  	[sflag:s13] =	ssyncadd.s32 $0xFFFFC000  }
0xb8: {  	[tilespmem:s6], [sflag:$0x2] =	stream.linear.gather [hbm4b:s22+s2], $0x10000, $0x38;
	[tilespmem:$0x10400] =	vst v63  }
0xb9: {  	_ =	swait.ge [sflag:s4], $0x10000  }
0xba: {  	[sflag:s4] =	ssyncset.done $0x0  }
0xbb: {  	[sflag:s4] =	ssyncadd.s32 $0xFFFF0000  }
0xbc: {  	[hbm4b:s7+s8] =	stream.indirect.scatter [tilespmem:s6], [sflag:$0x1], $0x80, s16, s8, $0xb8;
	[tilespmem:$0x10400] =	vst v63  }
0xbd: {  	_ = 	snop  }
0xbe: {  	[hbm4b:s7+s8] =	stream.indirect.scatter [tilespmem:s9], [sflag:$0x1], $0x80, s17, s8, $0xb8;
	[tilespmem:$0x10400] =	vst v63  }
0xbf: {  	_ = 	snop  }
0xc0: {  	[hbm4b:s7+s8] =	stream.indirect.scatter [tilespmem:s11], [sflag:$0x1], $0x80, s18, s8, $0xb8;
	[tilespmem:$0x10400] =	vst v63  }
0xc1: {  	_ = 	snop  }
0xc2: {  	[hbm4b:s7+s8] =	stream.indirect.scatter [tilespmem:s14], [sflag:$0x1], $0x80, s19, s8, $0xb8;
	[tilespmem:$0x10400] =	vst v63  }
0xc3: {  	_ =	swait.ge [sflag:s13], $0x4000  }
0xc4: {  	[sflag:s13] =	ssyncset.done $0x0  }
0xc5: {  	[sflag:s13] =	ssyncadd.s32 $0xFFFFC000  }
0xc6: {  	_ =	swait.ge [sflag:s13], $0x4000  }
0xc7: {  	[sflag:s13] =	ssyncset.done $0x0  }
0xc8: {  	[sflag:s13] =	ssyncadd.s32 $0xFFFFC000  }
.Ltmp1:
0xc9: {  	_ =	swait.ge [sflag:s13], $0x4000;
	(pc) =	sbr.rel @p0 .LBB2_1-.Ltmp1, $4  }
0xca: {  	[sflag:s13] =	ssyncset.done $0x0  }
0xcb: {  	[sflag:s13] =	ssyncadd.s32 $0xFFFFC000  }
0xcc: {  	_ =	swait.ge [sflag:s13], $0x4000  }
0xcd: {  	[sflag:s13] =	ssyncset.done $0x0  }
.LBB2_2:
0xce: {  	[sflag:s13] =	ssyncadd.s32 $0xFFFFC000  }
0xcf: {  	_ =	sfence.sel $0x180000  }
0xd0: {  	[bflag:$0x0] =	sbarrier.arrive $0xFFFF  }
0xd1: {  	p0 =	sne.s32 s0, $0x0;
	_ =	strace $0x90000047  }
0xd2: {  	s0 =	sadd.s32 @!p0 $0x100000, s1;
	[bflag:$0x2] =	sbarrier.arrive $0xFFFF  }
0xd3: {  	[sflag:s0] =	ssyncadd.tile.s32 @!p0 $0x1;
	_ =	shalt  }
.Lfunc_end2:
_tile_overlayer_lowered:
.L_overlay_start_2:
0xd4: {  	(tag) =	ssettag $0x2  }
0xd5: {  	s0 =	rddreg [dreg:$0x0];
	s2 =	stileid.u32  }
0xd6: {  	s1 =	rddreg [dreg:$0x1];
	p0 =	sne.s32 s2, $0x0  }
0xd7: {  	s3 =	rddreg [dreg:$0x2];
	[bflag:$0x3] =	sbarrier.arrive $0xFFFF;
	s2 =	simm.s32 @!p0 $0x1C02  }
0xd8: {  	[timem:s3], [sflag:s2] =	dma.local @!p0 [hbm:s0], s1  }
0xd9: {  	s0 =	simm.s32 @!p0 $0x2  }
0xda: {  	_ =	swait.ge @!p0 [sflag:s0], s1  }
0xdb: {  	s1 =	ssub.s32 @!p0 $0x0, s1;
	[sflag:s0] =	ssyncset.done @!p0 $0x0  }
0xdc: {  	[sflag:s0] =	ssyncadd.s32 @!p0 s1  }
0xdd: {  	[bflag:$0x3] =	sbarrier.arrive $0xFFFF  }
0xde: {  	_ =	shalt  }

</sc_bundles>
